<compile_context>
chip_gen: v7x
topology: tpu7x:2x2x1
jax: 0.10.2.dev20260603
libtpu: 0.0.44.dev20260713+nightly
codegen_flags: <defaults>
</compile_context>

<pallas_src>
import functools

import jax
import jax.numpy as jnp
from jax import lax
from jax.experimental import pallas as pl
from jax.experimental.pallas import tpu as pltpu
from jax.experimental.pallas import tpu_sc as plsc

_N = 10000
_E = 320000
_P = 10240
_NCORE = 2
_NSUB = 16
_EPT = _E // _NSUB
_NEV = _EPT // 16
_EPT2 = _E // (_NCORE * _NSUB)
_NEV2 = _EPT2 // 16
_SLAB = _P // _NSUB
_NSV = _SLAB // 16
_RF = 78
_RS = 79


def _fast_rsqrt(t):
    i = plsc.bitcast(t, jnp.int32)
    i = jnp.int32(0x5F3759DF) - lax.shift_right_logical(i, 1)
    y = plsc.bitcast(i, jnp.float32)
    for _ in range(3):
        y = y * (1.5 - 0.5 * t * y * y)
    return y


def _sc_edge(edge_flat, zeros_p):
    mesh = plsc.VectorSubcoreMesh(
        core_axis_name="c", subcore_axis_name="s",
        num_cores=_NCORE, num_subcores=_NSUB)

    @functools.partial(
        pl.kernel,
        out_type=(jax.ShapeDtypeStruct((_P,), jnp.float32),
                  jax.ShapeDtypeStruct((_P,), jnp.float32),
                  jax.ShapeDtypeStruct((_P,), jnp.float32)),
        mesh=mesh,
        scratch_types=[
            pltpu.VMEM((_EPT,), jnp.int32),
            pltpu.VMEM((_EPT2,), jnp.int32),
            pltpu.VMEM((_P,), jnp.float32),
            pltpu.VMEM((_P,), jnp.float32),
            pltpu.VMEM((_NSUB, _SLAB), jnp.float32),
            pltpu.VMEM((_SLAB,), jnp.float32),
            pltpu.VMEM_SHARED((_NSUB, _P), jnp.float32),
            pltpu.VMEM_SHARED((_P,), jnp.float32),
        ],
        compiler_params=pltpu.CompilerParams(needs_layout_passes=False),
    )
    def k(edge_hbm, zero_hbm, dinv_hbm, s0_hbm, s1_hbm,
          dst_v, src2_v, acc_v, dinv_v, slab_v, co_v, part_sh, dinv_sh):
        cid = lax.axis_index("c")
        sid = lax.axis_index("s")
        base = sid * _EPT
        pltpu.sync_copy(edge_hbm.at[pl.ds(_E + base, _EPT)], dst_v)
        pltpu.sync_copy(zero_hbm, acc_v)
        ones = jnp.ones((16,), jnp.float32)

        def p1(i, c):
            idx = dst_v[pl.ds(i * 16, 16)]
            plsc.addupdate_scatter(acc_v, [idx], ones)
            return c
        lax.fori_loop(0, _NEV, p1, 0, unroll=8)

        pltpu.sync_copy(acc_v, part_sh.at[sid])
        plsc.subcore_barrier()
        pltpu.sync_copy(part_sh.at[:, pl.ds(sid * _SLAB, _SLAB)], slab_v)

        def rd(j, c):
            t = jnp.ones((16,), jnp.float32)
            for r in range(_NSUB):
                t = t + slab_v[r, pl.ds(j * 16, 16)]
            co_v[pl.ds(j * 16, 16)] = _fast_rsqrt(t)
            return c
        lax.fori_loop(0, _NSV, rd, 0)

        pltpu.sync_copy(co_v, dinv_sh.at[pl.ds(sid * _SLAB, _SLAB)])

        @pl.when(cid == 0)
        def _():
            pltpu.sync_copy(co_v, dinv_hbm.at[pl.ds(sid * _SLAB, _SLAB)])

        plsc.subcore_barrier()
        pltpu.sync_copy(dinv_sh, dinv_v)
        pltpu.sync_copy(zero_hbm, acc_v)

        half = cid * _EPT2
        pltpu.sync_copy(edge_hbm.at[pl.ds(base + half, _EPT2)], src2_v)

        def p2(i, c):
            di = dst_v[pl.ds(half + i * 16, 16)]
            vals = plsc.load_gather(dinv_v, [di])
            si = src2_v[pl.ds(i * 16, 16)]
            plsc.addupdate_scatter(acc_v, [si], vals)
            return c
        lax.fori_loop(0, _NEV2, p2, 0, unroll=8)

        pltpu.sync_copy(acc_v, part_sh.at[sid])
        plsc.subcore_barrier()
        pltpu.sync_copy(part_sh.at[:, pl.ds(sid * _SLAB, _SLAB)], slab_v)

        def rs(j, c):
            t = jnp.zeros((16,), jnp.float32)
            for r in range(_NSUB):
                t = t + slab_v[r, pl.ds(j * 16, 16)]
            co_v[pl.ds(j * 16, 16)] = t
            return c
        lax.fori_loop(0, _NSV, rs, 0)

        @pl.when(cid == 0)
        def _():
            pltpu.sync_copy(co_v, s0_hbm.at[pl.ds(sid * _SLAB, _SLAB)])

        @pl.when(cid == 1)
        def _():
            pltpu.sync_copy(co_v, s1_hbm.at[pl.ds(sid * _SLAB, _SLAB)])

    return k(edge_flat, zeros_p)


def _tc_evolve(x, pool_w2, wih, whh, bih2, bhh2, init_w):
    def body(x_ref, pw_ref, wih_ref, whh_ref, bih_ref, bhh_ref,
             h_ref, w_out_ref, sc_ref, xt_ref):
        pw = pw_ref[...]
        inv = 1.0 / jnp.sqrt(jnp.sum(pw * pw))

        def sc_loop(r, c):
            chunk = x_ref[pl.ds(r * 128, 128), :]
            srow = lax.dot_general(
                pw, chunk, (((1,), (1,)), ((), ())),
                preferred_element_type=jnp.float32)
            sc_ref[pl.ds(r, 1), :] = srow
            return c
        lax.fori_loop(0, _RF, sc_loop, 0, unroll=6)

        tail = x_ref[pl.ds(_RF * 128, 16), :]
        st = lax.dot_general(pw, tail, (((1,), (1,)), ((), ())),
                             preferred_element_type=jnp.float32)
        sc_ref[pl.ds(_RF, 1), :] = jnp.concatenate(
            [st, jnp.full((1, 112), -1e30, jnp.float32)], axis=1)

        rows = lax.broadcasted_iota(jnp.int32, (_RS, 128), 0)
        cols = lax.broadcasted_iota(jnp.int32, (_RS, 128), 1)
        flatf = (rows * 128 + cols).astype(jnp.float32)

        sw0 = jnp.where(flatf < jnp.float32(_N), sc_ref[...], -1e30)

        def pick(i, sw):
            m = jnp.max(sw)
            idxf = jnp.min(jnp.where(sw == m, flatf, jnp.float32(1e9)))
            idx = idxf.astype(jnp.int32)
            row = x_ref[pl.ds(idx, 1), :]
            xt_ref[pl.ds(i, 1), :] = row * jnp.tanh(m * inv)
            return jnp.where(flatf == idxf, -2e30, sw)
        lax.fori_loop(0, 128, pick, sw0)

        xt = xt_ref[...]
        gx = lax.dot_general(xt, wih_ref[...], (((1,), (1,)), ((), ())),
                             preferred_element_type=jnp.float32) + bih_ref[...]
        h = h_ref[...]
        gh = lax.dot_general(h, whh_ref[...], (((1,), (1,)), ((), ())),
                             preferred_element_type=jnp.float32) + bhh_ref[...]
        xr, xz, xn = gx[:, :128], gx[:, 128:256], gx[:, 256:]
        hr, hz, hn = gh[:, :128], gh[:, 128:256], gh[:, 256:]
        r_ = jax.nn.sigmoid(xr + hr)
        z_ = jax.nn.sigmoid(xz + hz)
        ng = jnp.tanh(xn + r_ * hn)
        w_out_ref[...] = (1.0 - z_) * ng + z_ * h

    return pl.pallas_call(
        body,
        out_shape=jax.ShapeDtypeStruct((128, 128), jnp.float32),
        scratch_shapes=[
            pltpu.VMEM((_RS, 128), jnp.float32),
            pltpu.VMEM((128, 128), jnp.float32),
        ],
    )(x, pool_w2, wih, whh, bih2, bhh2, init_w)


def _tc_head(dinv2, s2a, s2b, x_pad, w_g, gw_t, gb2, doc2, dw_t, db2,
             lg2, lb2, fw_t, fb2, tw_t, tb2, mw_t, mb2):
    def body(di_ref, sa_ref, sb_ref, xp_ref, w_ref, gw_ref, gb_ref, d_ref,
             dw_ref, db_ref, lg_ref, lb_ref, fw_ref, fb_ref, tw_ref, tb_ref,
             mw_ref, mb_ref, o1_ref, o2_ref):
        def nt(a, b):
            return lax.dot_general(a, b, (((1,), (1,)), ((), ())),
                                   preferred_element_type=jnp.float32)

        dv = di_ref[...]
        coeff = dv * (sa_ref[...] + sb_ref[...] + dv)
        cx = jnp.dot(coeff, xp_ref[...],
                     preferred_element_type=jnp.float32)
        pooled = jnp.dot(cx, w_ref[...],
                         preferred_element_type=jnp.float32) * (1.0 / _N)
        x_g = nt(pooled, gw_ref[...]) + gb_ref[...]
        dq = jnp.maximum(nt(d_ref[...], dw_ref[...]) + db_ref[...], 0.0)
        mu = (jnp.sum(x_g) + jnp.sum(dq)) / 512.0
        var = (jnp.sum((x_g - mu) ** 2) + jnp.sum((dq - mu) ** 2)) / 512.0
        isd = lax.rsqrt(var + 1e-5)
        a = (x_g - mu) * isd * lg_ref[:, :256] + lb_ref[:, :256]
        b = (dq - mu) * isd * lg_ref[:, 256:] + lb_ref[:, 256:]
        fused = nt(a, fw_ref[:, :256]) + nt(b, fw_ref[:, 256:]) + fb_ref[...]
        hh = jnp.maximum(fused, 0.0)
        o1_ref[...] = jnp.dot(hh, tw_ref[...],
                              preferred_element_type=jnp.float32) + tb_ref[...]
        o2_ref[...] = jnp.dot(hh, mw_ref[...],
                              preferred_element_type=jnp.float32) + mb_ref[...]

    return pl.pallas_call(
        body,
        out_shape=(jax.ShapeDtypeStruct((1, 10), jnp.float32),
                   jax.ShapeDtypeStruct((1, 1), jnp.float32)),
    )(dinv2, s2a, s2b, x_pad, w_g, gw_t, gb2, doc2, dw_t, db2,
      lg2, lb2, fw_t, fb2, tw_t, tb2, mw_t, mb2)


def kernel(x, edge_index, doc_feature, pool_w, gru_w_ih, gru_w_hh, gru_b_ih,
           gru_b_hh, init_w, gnn_fc_w, gnn_fc_b, doc_fc_w, doc_fc_b, ln_g,
           ln_b, fusion_w, fusion_b, task_w, task_b, time_w, time_b):
    zeros_p = jnp.zeros((_P,), jnp.float32)
    dinv, s0, s1 = _sc_edge(edge_index.reshape(2 * _E), zeros_p)

    w_g = _tc_evolve(
        x, pool_w.reshape(1, 128), gru_w_ih, gru_w_hh,
        gru_b_ih.reshape(1, -1), gru_b_hh.reshape(1, -1), init_w)

    x_pad = jnp.concatenate(
        [x, jnp.zeros((_P - _N, 128), jnp.float32)], axis=0)

    return _tc_head(
        dinv.reshape(1, _P), s0.reshape(1, _P), s1.reshape(1, _P),
        x_pad, w_g, gnn_fc_w, gnn_fc_b.reshape(1, -1),
        doc_feature.reshape(1, -1), doc_fc_w, doc_fc_b.reshape(1, -1),
        ln_g.reshape(1, -1), ln_b.reshape(1, -1), fusion_w,
        fusion_b.reshape(1, -1), task_w.T, task_b.reshape(1, -1),
        time_w.T, time_b.reshape(1, -1))

# --- scband reference (transcript-rebuilt; emitter-appended) ---
"""Pipeline reference for scband-egcn-h-pr-25220047962224 (READ-ONLY COPY).

The authoritative reference and input builder live on the scoring server;
editing this copy changes nothing except your own understanding.
"""

import jax, jax.numpy as jnp
import numpy as np

N_NODES = 10000
N_EDGES = 320000
IN_C = 128
HID = 256
OUT_DIM = 10
DOC_DIM = 768


def setup_inputs(seed: int = 0):
    key = jax.random.key(seed)
    ks = jax.random.split(key, 24)

    def rn(k, shape, s=0.05):
        return jax.random.normal(k, shape, dtype=jnp.float32) * s

    inp = {}
    inp["x"] = jax.random.normal(ks[0], (N_NODES, IN_C), dtype=jnp.float32)
    inp["edge_index"] = jax.random.randint(ks[1], (2, N_EDGES), 0, N_NODES, dtype=jnp.int32)
    inp["doc_feature"] = jax.random.normal(ks[2], (DOC_DIM,), dtype=jnp.float32)
    # EvolveGCNH params
    inp["pool_w"] = rn(ks[3], (IN_C,), 0.1)              # TopKPooling score vector
    inp["gru_w_ih"] = rn(ks[4], (3 * IN_C, IN_C))
    inp["gru_w_hh"] = rn(ks[5], (3 * IN_C, IN_C))
    inp["gru_b_ih"] = rn(ks[6], (3 * IN_C,))
    inp["gru_b_hh"] = rn(ks[7], (3 * IN_C,))
    inp["init_w"] = rn(ks[8], (IN_C, IN_C), 0.1)          # initial GCN weight (GRU hidden)
    # wrapper head params
    inp["gnn_fc_w"] = rn(ks[9], (HID, IN_C))
    inp["gnn_fc_b"] = rn(ks[10], (HID,))
    inp["doc_fc_w"] = rn(ks[11], (HID, DOC_DIM))
    inp["doc_fc_b"] = rn(ks[12], (HID,))
    inp["ln_g"] = jnp.ones((2 * HID,), dtype=jnp.float32)
    inp["ln_b"] = jnp.zeros((2 * HID,), dtype=jnp.float32)
    inp["fusion_w"] = rn(ks[13], (HID, 2 * HID))
    inp["fusion_b"] = rn(ks[14], (HID,))
    inp["task_w"] = rn(ks[15], (OUT_DIM, HID))
    inp["task_b"] = rn(ks[16], (OUT_DIM,))
    inp["time_w"] = rn(ks[17], (1, HID))
    inp["time_b"] = rn(ks[18], (1,))
    return inp


def _forward(x, doc_feature, pool_w, gru_w_ih, gru_w_hh, gru_b_ih, gru_b_hh,
             init_w, gnn_fc_w, gnn_fc_b, doc_fc_w, doc_fc_b, ln_g, ln_b,
             fusion_w, fusion_b, task_w, task_b, time_w, time_b, edge_index):
    n = x.shape[0]
    # ---------- EvolveGCNH ----------
    # TopKPooling: ratio = in_channels / num_of_nodes -> k = IN_C selected nodes
    score = jnp.tanh((x @ pool_w) / jnp.linalg.norm(pool_w))
    top_vals, perm = jax.lax.top_k(score, IN_C)
    x_tilde = x[perm] * top_vals[:, None]                 # [IN_C, IN_C]
    # single-step GRU: batch = IN_C pooled nodes, hidden = evolving GCN weight
    h = init_w
    gx = x_tilde @ gru_w_ih.T + gru_b_ih
    gh = h @ gru_w_hh.T + gru_b_hh
    xr, xz, xn = jnp.split(gx, 3, axis=1)
    hr, hz, hn = jnp.split(gh, 3, axis=1)
    r = jax.nn.sigmoid(xr + hr)
    z = jax.nn.sigmoid(xz + hz)
    ng = jnp.tanh(xn + r * hn)
    W = (1.0 - z) * ng + z * h                            # evolved GCN weight [IN_C, IN_C]
    # GCNConv with fixed W: gcn_norm with self-loops
    src = edge_index[0]
    dst = edge_index[1]
    loop = jnp.arange(n, dtype=src.dtype)
    src2 = jnp.concatenate([src, loop])
    dst2 = jnp.concatenate([dst, loop])
    ew = jnp.ones(src2.shape[0], dtype=jnp.float32)
    deg = jax.ops.segment_sum(ew, dst2, num_segments=n)
    dinv = jnp.where(deg > 0, 1.0 / jnp.sqrt(deg), 0.0)
    norm = dinv[src2] * ew * dinv[dst2]
    xw = x @ W
    msg = norm[:, None] * xw[src2]                        # gather over ~330K edges
    x_gnn = jnp.zeros((n, IN_C), dtype=jnp.float32).at[dst2].add(msg)  # scatter-add
    # ---------- wrapper head ----------
    x_pooled = jnp.mean(x_gnn, axis=0, keepdims=True)     # global_mean_pool (batch all zeros)
    x_g = x_pooled @ gnn_fc_w.T + gnn_fc_b
    doc = jax.nn.relu(doc_feature[None, :] @ doc_fc_w.T + doc_fc_b)
    h2 = jnp.concatenate([x_g, doc], axis=1)
    mu = jnp.mean(h2, axis=-1, keepdims=True)
    var = jnp.var(h2, axis=-1, keepdims=True)
    h2 = (h2 - mu) / jnp.sqrt(var + 1e-5) * ln_g + ln_b   # LayerNorm(2*HID)
    h2 = jax.nn.relu(h2 @ fusion_w.T + fusion_b)          # dropout = identity (eval)
    return (h2 @ task_w.T + task_b, h2 @ time_w.T + time_b)


def reference(x, edge_index, doc_feature, pool_w, gru_w_ih, gru_w_hh, gru_b_ih,
              gru_b_hh, init_w, gnn_fc_w, gnn_fc_b, doc_fc_w, doc_fc_b, ln_g,
              ln_b, fusion_w, fusion_b, task_w, task_b, time_w, time_b):
    return _forward(x, doc_feature, pool_w, gru_w_ih, gru_w_hh, gru_b_ih,
                    gru_b_hh, init_w, gnn_fc_w, gnn_fc_b, doc_fc_w, doc_fc_b,
                    ln_g, ln_b, fusion_w, fusion_b, task_w, task_b, time_w,
                    time_b, edge_index)

if __name__ == "__main__":
    import jax
    _d = setup_inputs()
    print(jax.jit(kernel)(*tuple(_d.values())))

</pallas_src>

<mosaic_0001>
#map = affine_map<(d0, d1) -> (0)>
module attributes {stable_mosaic.version = 14 : i64} {
  func.func @k(%arg0: i32, %arg1: i32, %arg2: memref<640000xi32, #tpu.memory_space<hbm>>, %arg3: memref<10240xf32, #tpu.memory_space<hbm>>, %arg4: memref<10240xf32, #tpu.memory_space<hbm>>, %arg5: memref<10240xf32, #tpu.memory_space<hbm>>, %arg6: memref<10240xf32, #tpu.memory_space<hbm>>, %arg7: memref<20000xi32, #tpu.memory_space<vmem>>, %arg8: memref<10000xi32, #tpu.memory_space<vmem>>, %arg9: memref<10240xf32, #tpu.memory_space<vmem>>, %arg10: memref<10240xf32, #tpu.memory_space<vmem>>, %arg11: memref<16x640xf32, #tpu.memory_space<vmem>>, %arg12: memref<640xf32, #tpu.memory_space<vmem>>, %arg13: memref<16x10240xf32, #tpu.memory_space<vmem_shared>>, %arg14: memref<10240xf32, #tpu.memory_space<vmem_shared>>) attributes {dimension_semantics = [#tpu.dimension_semantics<core_parallel>, #tpu.dimension_semantics<subcore_parallel>], iteration_bounds = array<i64: 2, 16>, scalar_prefetch = 0 : i64, scratch_operands = 8 : i64, tpu.core_type = #tpu.core_type<sc_vector_subcore>, window_params = [{transform_indices = #map}, {transform_indices = #map}, {transform_indices = #map}, {transform_indices = #map}, {transform_indices = #map}]} {
    %mul3A = arith.constant 20000 : i32
    %mul3A_0 = arith.muli %arg1, %mul3A : i32
    %add3A = arith.constant 320000 : i32
    %add3A_1 = arith.addi %add3A, %mul3A_0 : i32
    "tpu.region"() ({
      %run_scoped3A = tpu.sem_alloc : memref<!tpu.dma_semaphore, #tpu.memory_space<semaphore_mem>>
      %dma_start3A = tpu.memref_slice %arg2[%add3A_1] : memref<640000xi32, #tpu.memory_space<hbm>> -> memref<20000xi32, #tpu.memory_space<hbm>>
      %dma_start3A_71 = tpu.memref_slice %arg2[%add3A_1] : memref<640000xi32, #tpu.memory_space<hbm>> -> memref<20000xi32, #tpu.memory_space<hbm>>
      tpu.enqueue_dma source(%dma_start3A_71 : memref<20000xi32, #tpu.memory_space<hbm>>) target(%arg7 : memref<20000xi32, #tpu.memory_space<vmem>>) target_semaphore(%run_scoped3A : memref<!tpu.dma_semaphore, #tpu.memory_space<semaphore_mem>>)
      %dma_wait3A = tpu.memref_slice %arg2[%add3A_1] : memref<640000xi32, #tpu.memory_space<hbm>> -> memref<20000xi32, #tpu.memory_space<hbm>>
      %dma_wait3A_72 = tpu.memref_slice %arg2[%add3A_1] : memref<640000xi32, #tpu.memory_space<hbm>> -> memref<20000xi32, #tpu.memory_space<hbm>>
      tpu.wait_dma2 semaphore(%run_scoped3A : memref<!tpu.dma_semaphore, #tpu.memory_space<semaphore_mem>>) src(%dma_wait3A_72 : memref<20000xi32, #tpu.memory_space<hbm>>) dst(%arg7 : memref<20000xi32, #tpu.memory_space<vmem>>)
      tpu.yield
    }) : () -> ()
    "tpu.region"() ({
      %run_scoped3A = tpu.sem_alloc : memref<!tpu.dma_semaphore, #tpu.memory_space<semaphore_mem>>
      tpu.enqueue_dma source(%arg3 : memref<10240xf32, #tpu.memory_space<hbm>>) target(%arg9 : memref<10240xf32, #tpu.memory_space<vmem>>) target_semaphore(%run_scoped3A : memref<!tpu.dma_semaphore, #tpu.memory_space<semaphore_mem>>)
      tpu.wait_dma2 semaphore(%run_scoped3A : memref<!tpu.dma_semaphore, #tpu.memory_space<semaphore_mem>>) src(%arg3 : memref<10240xf32, #tpu.memory_space<hbm>>) dst(%arg9 : memref<10240xf32, #tpu.memory_space<vmem>>)
      tpu.yield
    }) : () -> ()
    %broadcast_in_dim3A = arith.constant 1.000000e+00 : f32
    %broadcast_in_dim3A_2 = vector.broadcast %broadcast_in_dim3A : f32 to vector<16xf32>
    %scan3A = arith.constant 0 : i32
    %scan3A_3 = arith.constant 0 : i32
    %scan3A_4 = arith.constant 1248 : i32
    %scan3A_5 = arith.addi %scan3A_3, %scan3A_4 : i32
    %scan3A_6 = arith.constant 8 : i32
    scf.for %scan3A_71 = %scan3A_3 to %scan3A_5 step %scan3A_6  : i32 {
      %mul3A_72 = arith.constant 16 : i32
      %mul3A_73 = arith.muli %scan3A_71, %mul3A_72 : i32
      %get3A_74 = arith.index_cast %mul3A_73 : i32 to index
      %get3A_75 = tpu.vector_load %arg7[%get3A_74] {strides = array<i32>} : memref<20000xi32, #tpu.memory_space<vmem>>, vector<16xi32>,
      tpu.vector_store_idx %arg9[%get3A_75], %broadcast_in_dim3A_2 {add = true} : memref<10240xf32, #tpu.memory_space<vmem>>[vector<16xi32>], vector<16xf32>,
      %scan3A_76 = arith.constant 1 : i32
      %scan3A_77 = arith.addi %scan3A_71, %scan3A_76 : i32
      %mul3A_78 = arith.constant 16 : i32
      %mul3A_79 = arith.muli %scan3A_77, %mul3A_78 : i32
      %get3A_80 = arith.index_cast %mul3A_79 : i32 to index
      %get3A_81 = tpu.vector_load %arg7[%get3A_80] {strides = array<i32>} : memref<20000xi32, #tpu.memory_space<vmem>>, vector<16xi32>,
      tpu.vector_store_idx %arg9[%get3A_81], %broadcast_in_dim3A_2 {add = true} : memref<10240xf32, #tpu.memory_space<vmem>>[vector<16xi32>], vector<16xf32>,
      %scan3A_82 = arith.constant 2 : i32
      %scan3A_83 = arith.addi %scan3A_71, %scan3A_82 : i32
      %mul3A_84 = arith.constant 16 : i32
      %mul3A_85 = arith.muli %scan3A_83, %mul3A_84 : i32
      %get3A_86 = arith.index_cast %mul3A_85 : i32 to index
      %get3A_87 = tpu.vector_load %arg7[%get3A_86] {strides = array<i32>} : memref<20000xi32, #tpu.memory_space<vmem>>, vector<16xi32>,
      tpu.vector_store_idx %arg9[%get3A_87], %broadcast_in_dim3A_2 {add = true} : memref<10240xf32, #tpu.memory_space<vmem>>[vector<16xi32>], vector<16xf32>,
      %scan3A_88 = arith.constant 3 : i32
      %scan3A_89 = arith.addi %scan3A_71, %scan3A_88 : i32
      %mul3A_90 = arith.constant 16 : i32
      %mul3A_91 = arith.muli %scan3A_89, %mul3A_90 : i32
      %get3A_92 = arith.index_cast %mul3A_91 : i32 to index
      %get3A_93 = tpu.vector_load %arg7[%get3A_92] {strides = array<i32>} : memref<20000xi32, #tpu.memory_space<vmem>>, vector<16xi32>,
      tpu.vector_store_idx %arg9[%get3A_93], %broadcast_in_dim3A_2 {add = true} : memref<10240xf32, #tpu.memory_space<vmem>>[vector<16xi32>], vector<16xf32>,
      %scan3A_94 = arith.constant 4 : i32
      %scan3A_95 = arith.addi %scan3A_71, %scan3A_94 : i32
      %mul3A_96 = arith.constant 16 : i32
      %mul3A_97 = arith.muli %scan3A_95, %mul3A_96 : i32
      %get3A_98 = arith.index_cast %mul3A_97 : i32 to index
      %get3A_99 = tpu.vector_load %arg7[%get3A_98] {strides = array<i32>} : memref<20000xi32, #tpu.memory_space<vmem>>, vector<16xi32>,
      tpu.vector_store_idx %arg9[%get3A_99], %broadcast_in_dim3A_2 {add = true} : memref<10240xf32, #tpu.memory_space<vmem>>[vector<16xi32>], vector<16xf32>,
      %scan3A_100 = arith.constant 5 : i32
      %scan3A_101 = arith.addi %scan3A_71, %scan3A_100 : i32
      %mul3A_102 = arith.constant 16 : i32
      %mul3A_103 = arith.muli %scan3A_101, %mul3A_102 : i32
      %get3A_104 = arith.index_cast %mul3A_103 : i32 to index
      %get3A_105 = tpu.vector_load %arg7[%get3A_104] {strides = array<i32>} : memref<20000xi32, #tpu.memory_space<vmem>>, vector<16xi32>,
      tpu.vector_store_idx %arg9[%get3A_105], %broadcast_in_dim3A_2 {add = true} : memref<10240xf32, #tpu.memory_space<vmem>>[vector<16xi32>], vector<16xf32>,
      %scan3A_106 = arith.constant 6 : i32
      %scan3A_107 = arith.addi %scan3A_71, %scan3A_106 : i32
      %mul3A_108 = arith.constant 16 : i32
      %mul3A_109 = arith.muli %scan3A_107, %mul3A_108 : i32
      %get3A_110 = arith.index_cast %mul3A_109 : i32 to index
      %get3A_111 = tpu.vector_load %arg7[%get3A_110] {strides = array<i32>} : memref<20000xi32, #tpu.memory_space<vmem>>, vector<16xi32>,
      tpu.vector_store_idx %arg9[%get3A_111], %broadcast_in_dim3A_2 {add = true} : memref<10240xf32, #tpu.memory_space<vmem>>[vector<16xi32>], vector<16xf32>,
      %scan3A_112 = arith.constant 7 : i32
      %scan3A_113 = arith.addi %scan3A_71, %scan3A_112 : i32
      %mul3A_114 = arith.constant 16 : i32
      %mul3A_115 = arith.muli %scan3A_113, %mul3A_114 : i32
      %get3A_116 = arith.index_cast %mul3A_115 : i32 to index
      %get3A_117 = tpu.vector_load %arg7[%get3A_116] {strides = array<i32>} : memref<20000xi32, #tpu.memory_space<vmem>>, vector<16xi32>,
      tpu.vector_store_idx %arg9[%get3A_117], %broadcast_in_dim3A_2 {add = true} : memref<10240xf32, #tpu.memory_space<vmem>>[vector<16xi32>], vector<16xf32>,
    }
    %scan3A_7 = arith.constant 1248 : i32
    %scan3A_8 = arith.addi %scan3A_3, %scan3A_7 : i32
    %mul3A_9 = arith.constant 16 : i32
    %mul3A_10 = arith.muli %scan3A_8, %mul3A_9 : i32
    %get3A = arith.index_cast %mul3A_10 : i32 to index
    %get3A_11 = tpu.vector_load %arg7[%get3A] {strides = array<i32>} : memref<20000xi32, #tpu.memory_space<vmem>>, vector<16xi32>,
    tpu.vector_store_idx %arg9[%get3A_11], %broadcast_in_dim3A_2 {add = true} : memref<10240xf32, #tpu.memory_space<vmem>>[vector<16xi32>], vector<16xf32>,
    %scan3A_12 = arith.constant 1249 : i32
    %scan3A_13 = arith.addi %scan3A_3, %scan3A_12 : i32
    %mul3A_14 = arith.constant 16 : i32
    %mul3A_15 = arith.muli %scan3A_13, %mul3A_14 : i32
    %get3A_16 = arith.index_cast %mul3A_15 : i32 to index
    %get3A_17 = tpu.vector_load %arg7[%get3A_16] {strides = array<i32>} : memref<20000xi32, #tpu.memory_space<vmem>>, vector<16xi32>,
    tpu.vector_store_idx %arg9[%get3A_17], %broadcast_in_dim3A_2 {add = true} : memref<10240xf32, #tpu.memory_space<vmem>>[vector<16xi32>], vector<16xf32>,
    %scan3A_18 = arith.constant 1250 : i32
    "tpu.region"() ({
      %run_scoped3A = tpu.sem_alloc : memref<!tpu.dma_semaphore, #tpu.memory_space<semaphore_mem>>
      %dma_start3A = arith.constant 0 : i32
      %dma_start3A_71 = tpu.memref_slice %arg13[%arg1, %dma_start3A] : memref<16x10240xf32, #tpu.memory_space<vmem_shared>> -> memref<1x10240xf32, #tpu.memory_space<vmem_shared>>
      %dma_start3A_72 = tpu.memref_squeeze %dma_start3A_71 : memref<1x10240xf32, #tpu.memory_space<vmem_shared>> -> memref<10240xf32, #tpu.memory_space<vmem_shared>>
      %dma_start3A_73 = arith.constant 0 : i32
      %dma_start3A_74 = tpu.memref_slice %arg13[%arg1, %dma_start3A_73] : memref<16x10240xf32, #tpu.memory_space<vmem_shared>> -> memref<1x10240xf32, #tpu.memory_space<vmem_shared>>
      %dma_start3A_75 = tpu.memref_squeeze %dma_start3A_74 : memref<1x10240xf32, #tpu.memory_space<vmem_shared>> -> memref<10240xf32, #tpu.memory_space<vmem_shared>>
      tpu.enqueue_dma source(%arg9 : memref<10240xf32, #tpu.memory_space<vmem>>) target(%dma_start3A_75 : memref<10240xf32, #tpu.memory_space<vmem_shared>>) target_semaphore(%run_scoped3A : memref<!tpu.dma_semaphore, #tpu.memory_space<semaphore_mem>>)
      %dma_wait3A = arith.constant 0 : i32
      %dma_wait3A_76 = tpu.memref_slice %arg13[%arg1, %dma_wait3A] : memref<16x10240xf32, #tpu.memory_space<vmem_shared>> -> memref<1x10240xf32, #tpu.memory_space<vmem_shared>>
      %dma_wait3A_77 = tpu.memref_squeeze %dma_wait3A_76 : memref<1x10240xf32, #tpu.memory_space<vmem_shared>> -> memref<10240xf32, #tpu.memory_space<vmem_shared>>
      %dma_wait3A_78 = arith.constant 0 : i32
      %dma_wait3A_79 = tpu.memref_slice %arg13[%arg1, %dma_wait3A_78] : memref<16x10240xf32, #tpu.memory_space<vmem_shared>> -> memref<1x10240xf32, #tpu.memory_space<vmem_shared>>
      %dma_wait3A_80 = tpu.memref_squeeze %dma_wait3A_79 : memref<1x10240xf32, #tpu.memory_space<vmem_shared>> -> memref<10240xf32, #tpu.memory_space<vmem_shared>>
      tpu.wait_dma2 semaphore(%run_scoped3A : memref<!tpu.dma_semaphore, #tpu.memory_space<semaphore_mem>>) src(%arg9 : memref<10240xf32, #tpu.memory_space<vmem>>) dst(%dma_wait3A_80 : memref<10240xf32, #tpu.memory_space<vmem_shared>>)
      tpu.yield
    }) : () -> ()
    %barrier3A = arith.constant 0 : index
    tpu.barrier barrier_id(%barrier3A)
    %mul3A_19 = arith.constant 640 : i32
    %mul3A_20 = arith.muli %arg1, %mul3A_19 : i32
    "tpu.region"() ({
      %run_scoped3A = tpu.sem_alloc : memref<!tpu.dma_semaphore, #tpu.memory_space<semaphore_mem>>
      %dma_start3A = arith.constant 0 : i32
      %dma_start3A_71 = tpu.memref_slice %arg13[%dma_start3A, %mul3A_20] : memref<16x10240xf32, #tpu.memory_space<vmem_shared>> -> memref<16x640xf32, #tpu.memory_space<vmem_shared>>
      %dma_start3A_72 = arith.constant 0 : i32
      %dma_start3A_73 = tpu.memref_slice %arg13[%dma_start3A_72, %mul3A_20] : memref<16x10240xf32, #tpu.memory_space<vmem_shared>> -> memref<16x640xf32, #tpu.memory_space<vmem_shared>>
      tpu.enqueue_dma source(%dma_start3A_73 : memref<16x640xf32, #tpu.memory_space<vmem_shared>>) target(%arg11 : memref<16x640xf32, #tpu.memory_space<vmem>>) target_semaphore(%run_scoped3A : memref<!tpu.dma_semaphore, #tpu.memory_space<semaphore_mem>>)
      %dma_wait3A = arith.constant 0 : i32
      %dma_wait3A_74 = tpu.memref_slice %arg13[%dma_wait3A, %mul3A_20] : memref<16x10240xf32, #tpu.memory_space<vmem_shared>> -> memref<16x640xf32, #tpu.memory_space<vmem_shared>>
      %dma_wait3A_75 = arith.constant 0 : i32
      %dma_wait3A_76 = tpu.memref_slice %arg13[%dma_wait3A_75, %mul3A_20] : memref<16x10240xf32, #tpu.memory_space<vmem_shared>> -> memref<16x640xf32, #tpu.memory_space<vmem_shared>>
      tpu.wait_dma2 semaphore(%run_scoped3A : memref<!tpu.dma_semaphore, #tpu.memory_space<semaphore_mem>>) src(%dma_wait3A_76 : memref<16x640xf32, #tpu.memory_space<vmem_shared>>) dst(%arg11 : memref<16x640xf32, #tpu.memory_space<vmem>>)
      tpu.yield
    }) : () -> ()
    %scan3A_21 = arith.constant 0 : i32
    %scan3A_22 = arith.constant 0 : i32
    %scan3A_23 = arith.constant 40 : i32
    %scan3A_24 = arith.addi %scan3A_22, %scan3A_23 : i32
    %scan3A_25 = arith.constant 1 : i32
    scf.for %scan3A_71 = %scan3A_22 to %scan3A_24 step %scan3A_25  : i32 {
      %broadcast_in_dim3A_72 = arith.constant 1.000000e+00 : f32
      %broadcast_in_dim3A_73 = vector.broadcast %broadcast_in_dim3A_72 : f32 to vector<16xf32>
      %mul3A_74 = arith.constant 16 : i32
      %mul3A_75 = arith.muli %scan3A_71, %mul3A_74 : i32
      %get3A_76 = arith.constant 0 : i32
      %get3A_77 = arith.index_cast %get3A_76 : i32 to index
      %get3A_78 = arith.index_cast %mul3A_75 : i32 to index
      %get3A_79 = tpu.vector_load %arg11[%get3A_77, %get3A_78] {strides = array<i32>} : memref<16x640xf32, #tpu.memory_space<vmem>>, vector<16xf32>,
      %add3A_80 = arith.addf %broadcast_in_dim3A_73, %get3A_79 : vector<16xf32>
      %mul3A_81 = arith.constant 16 : i32
      %mul3A_82 = arith.muli %scan3A_71, %mul3A_81 : i32
      %get3A_83 = arith.constant 1 : i32
      %get3A_84 = arith.index_cast %get3A_83 : i32 to index
      %get3A_85 = arith.index_cast %mul3A_82 : i32 to index
      %get3A_86 = tpu.vector_load %arg11[%get3A_84, %get3A_85] {strides = array<i32>} : memref<16x640xf32, #tpu.memory_space<vmem>>, vector<16xf32>,
      %add3A_87 = arith.addf %add3A_80, %get3A_86 : vector<16xf32>
      %mul3A_88 = arith.constant 16 : i32
      %mul3A_89 = arith.muli %scan3A_71, %mul3A_88 : i32
      %get3A_90 = arith.constant 2 : i32
      %get3A_91 = arith.index_cast %get3A_90 : i32 to index
      %get3A_92 = arith.index_cast %mul3A_89 : i32 to index
      %get3A_93 = tpu.vector_load %arg11[%get3A_91, %get3A_92] {strides = array<i32>} : memref<16x640xf32, #tpu.memory_space<vmem>>, vector<16xf32>,
      %add3A_94 = arith.addf %add3A_87, %get3A_93 : vector<16xf32>
      %mul3A_95 = arith.constant 16 : i32
      %mul3A_96 = arith.muli %scan3A_71, %mul3A_95 : i32
      %get3A_97 = arith.constant 3 : i32
      %get3A_98 = arith.index_cast %get3A_97 : i32 to index
      %get3A_99 = arith.index_cast %mul3A_96 : i32 to index
      %get3A_100 = tpu.vector_load %arg11[%get3A_98, %get3A_99] {strides = array<i32>} : memref<16x640xf32, #tpu.memory_space<vmem>>, vector<16xf32>,
      %add3A_101 = arith.addf %add3A_94, %get3A_100 : vector<16xf32>
      %mul3A_102 = arith.constant 16 : i32
      %mul3A_103 = arith.muli %scan3A_71, %mul3A_102 : i32
      %get3A_104 = arith.constant 4 : i32
      %get3A_105 = arith.index_cast %get3A_104 : i32 to index
      %get3A_106 = arith.index_cast %mul3A_103 : i32 to index
      %get3A_107 = tpu.vector_load %arg11[%get3A_105, %get3A_106] {strides = array<i32>} : memref<16x640xf32, #tpu.memory_space<vmem>>, vector<16xf32>,
      %add3A_108 = arith.addf %add3A_101, %get3A_107 : vector<16xf32>
      %mul3A_109 = arith.constant 16 : i32
      %mul3A_110 = arith.muli %scan3A_71, %mul3A_109 : i32
      %get3A_111 = arith.constant 5 : i32
      %get3A_112 = arith.index_cast %get3A_111 : i32 to index
      %get3A_113 = arith.index_cast %mul3A_110 : i32 to index
      %get3A_114 = tpu.vector_load %arg11[%get3A_112, %get3A_113] {strides = array<i32>} : memref<16x640xf32, #tpu.memory_space<vmem>>, vector<16xf32>,
      %add3A_115 = arith.addf %add3A_108, %get3A_114 : vector<16xf32>
      %mul3A_116 = arith.constant 16 : i32
      %mul3A_117 = arith.muli %scan3A_71, %mul3A_116 : i32
      %get3A_118 = arith.constant 6 : i32
      %get3A_119 = arith.index_cast %get3A_118 : i32 to index
      %get3A_120 = arith.index_cast %mul3A_117 : i32 to index
      %get3A_121 = tpu.vector_load %arg11[%get3A_119, %get3A_120] {strides = array<i32>} : memref<16x640xf32, #tpu.memory_space<vmem>>, vector<16xf32>,
      %add3A_122 = arith.addf %add3A_115, %get3A_121 : vector<16xf32>
      %mul3A_123 = arith.constant 16 : i32
      %mul3A_124 = arith.muli %scan3A_71, %mul3A_123 : i32
      %get3A_125 = arith.constant 7 : i32
      %get3A_126 = arith.index_cast %get3A_125 : i32 to index
      %get3A_127 = arith.index_cast %mul3A_124 : i32 to index
      %get3A_128 = tpu.vector_load %arg11[%get3A_126, %get3A_127] {strides = array<i32>} : memref<16x640xf32, #tpu.memory_space<vmem>>, vector<16xf32>,
      %add3A_129 = arith.addf %add3A_122, %get3A_128 : vector<16xf32>
      %mul3A_130 = arith.constant 16 : i32
      %mul3A_131 = arith.muli %scan3A_71, %mul3A_130 : i32
      %get3A_132 = arith.constant 8 : i32
      %get3A_133 = arith.index_cast %get3A_132 : i32 to index
      %get3A_134 = arith.index_cast %mul3A_131 : i32 to index
      %get3A_135 = tpu.vector_load %arg11[%get3A_133, %get3A_134] {strides = array<i32>} : memref<16x640xf32, #tpu.memory_space<vmem>>, vector<16xf32>,
      %add3A_136 = arith.addf %add3A_129, %get3A_135 : vector<16xf32>
      %mul3A_137 = arith.constant 16 : i32
      %mul3A_138 = arith.muli %scan3A_71, %mul3A_137 : i32
      %get3A_139 = arith.constant 9 : i32
      %get3A_140 = arith.index_cast %get3A_139 : i32 to index
      %get3A_141 = arith.index_cast %mul3A_138 : i32 to index
      %get3A_142 = tpu.vector_load %arg11[%get3A_140, %get3A_141] {strides = array<i32>} : memref<16x640xf32, #tpu.memory_space<vmem>>, vector<16xf32>,
      %add3A_143 = arith.addf %add3A_136, %get3A_142 : vector<16xf32>
      %mul3A_144 = arith.constant 16 : i32
      %mul3A_145 = arith.muli %scan3A_71, %mul3A_144 : i32
      %get3A_146 = arith.constant 10 : i32
      %get3A_147 = arith.index_cast %get3A_146 : i32 to index
      %get3A_148 = arith.index_cast %mul3A_145 : i32 to index
      %get3A_149 = tpu.vector_load %arg11[%get3A_147, %get3A_148] {strides = array<i32>} : memref<16x640xf32, #tpu.memory_space<vmem>>, vector<16xf32>,
      %add3A_150 = arith.addf %add3A_143, %get3A_149 : vector<16xf32>
      %mul3A_151 = arith.constant 16 : i32
      %mul3A_152 = arith.muli %scan3A_71, %mul3A_151 : i32
      %get3A_153 = arith.constant 11 : i32
      %get3A_154 = arith.index_cast %get3A_153 : i32 to index
      %get3A_155 = arith.index_cast %mul3A_152 : i32 to index
      %get3A_156 = tpu.vector_load %arg11[%get3A_154, %get3A_155] {strides = array<i32>} : memref<16x640xf32, #tpu.memory_space<vmem>>, vector<16xf32>,
      %add3A_157 = arith.addf %add3A_150, %get3A_156 : vector<16xf32>
      %mul3A_158 = arith.constant 16 : i32
      %mul3A_159 = arith.muli %scan3A_71, %mul3A_158 : i32
      %get3A_160 = arith.constant 12 : i32
      %get3A_161 = arith.index_cast %get3A_160 : i32 to index
      %get3A_162 = arith.index_cast %mul3A_159 : i32 to index
      %get3A_163 = tpu.vector_load %arg11[%get3A_161, %get3A_162] {strides = array<i32>} : memref<16x640xf32, #tpu.memory_space<vmem>>, vector<16xf32>,
      %add3A_164 = arith.addf %add3A_157, %get3A_163 : vector<16xf32>
      %mul3A_165 = arith.constant 16 : i32
      %mul3A_166 = arith.muli %scan3A_71, %mul3A_165 : i32
      %get3A_167 = arith.constant 13 : i32
      %get3A_168 = arith.index_cast %get3A_167 : i32 to index
      %get3A_169 = arith.index_cast %mul3A_166 : i32 to index
      %get3A_170 = tpu.vector_load %arg11[%get3A_168, %get3A_169] {strides = array<i32>} : memref<16x640xf32, #tpu.memory_space<vmem>>, vector<16xf32>,
      %add3A_171 = arith.addf %add3A_164, %get3A_170 : vector<16xf32>
      %mul3A_172 = arith.constant 16 : i32
      %mul3A_173 = arith.muli %scan3A_71, %mul3A_172 : i32
      %get3A_174 = arith.constant 14 : i32
      %get3A_175 = arith.index_cast %get3A_174 : i32 to index
      %get3A_176 = arith.index_cast %mul3A_173 : i32 to index
      %get3A_177 = tpu.vector_load %arg11[%get3A_175, %get3A_176] {strides = array<i32>} : memref<16x640xf32, #tpu.memory_space<vmem>>, vector<16xf32>,
      %add3A_178 = arith.addf %add3A_171, %get3A_177 : vector<16xf32>
      %mul3A_179 = arith.constant 16 : i32
      %mul3A_180 = arith.muli %scan3A_71, %mul3A_179 : i32
      %get3A_181 = arith.constant 15 : i32
      %get3A_182 = arith.index_cast %get3A_181 : i32 to index
      %get3A_183 = arith.index_cast %mul3A_180 : i32 to index
      %get3A_184 = tpu.vector_load %arg11[%get3A_182, %get3A_183] {strides = array<i32>} : memref<16x640xf32, #tpu.memory_space<vmem>>, vector<16xf32>,
      %add3A_185 = arith.addf %add3A_178, %get3A_184 : vector<16xf32>
      %bitcast3A = vector.bitcast %add3A_185 : vector<16xf32> to vector<16xi32>
      %shift_right_logical3A = arith.constant 1 : i32
      %shift_right_logical3A_186 = vector.broadcast %shift_right_logical3A : i32 to vector<16xi32>
      %shift_right_logical3A_187 = arith.shrui %bitcast3A, %shift_right_logical3A_186 : vector<16xi32>
      %sub3A = arith.constant 1597463007 : i32
      %sub3A_188 = vector.broadcast %sub3A : i32 to vector<16xi32>
      %sub3A_189 = arith.subi %sub3A_188, %shift_right_logical3A_187 : vector<16xi32>
      %bitcast3A_190 = vector.bitcast %sub3A_189 : vector<16xi32> to vector<16xf32>
      %mul3A_191 = arith.constant 5.000000e-01 : f32
      %mul3A_192 = vector.broadcast %mul3A_191 : f32 to vector<16xf32>
      %mul3A_193 = arith.mulf %mul3A_192, %add3A_185 : vector<16xf32>
      %mul3A_194 = arith.mulf %mul3A_193, %bitcast3A_190 : vector<16xf32>
      %mul3A_195 = arith.mulf %mul3A_194, %bitcast3A_190 : vector<16xf32>
      %sub3A_196 = arith.constant 1.500000e+00 : f32
      %sub3A_197 = vector.broadcast %sub3A_196 : f32 to vector<16xf32>
      %sub3A_198 = arith.subf %sub3A_197, %mul3A_195 : vector<16xf32>
      %mul3A_199 = arith.mulf %bitcast3A_190, %sub3A_198 : vector<16xf32>
      %mul3A_200 = arith.constant 5.000000e-01 : f32
      %mul3A_201 = vector.broadcast %mul3A_200 : f32 to vector<16xf32>
      %mul3A_202 = arith.mulf %mul3A_201, %add3A_185 : vector<16xf32>
      %mul3A_203 = arith.mulf %mul3A_202, %mul3A_199 : vector<16xf32>
      %mul3A_204 = arith.mulf %mul3A_203, %mul3A_199 : vector<16xf32>
      %sub3A_205 = arith.constant 1.500000e+00 : f32
      %sub3A_206 = vector.broadcast %sub3A_205 : f32 to vector<16xf32>
      %sub3A_207 = arith.subf %sub3A_206, %mul3A_204 : vector<16xf32>
      %mul3A_208 = arith.mulf %mul3A_199, %sub3A_207 : vector<16xf32>
      %mul3A_209 = arith.constant 5.000000e-01 : f32
      %mul3A_210 = vector.broadcast %mul3A_209 : f32 to vector<16xf32>
      %mul3A_211 = arith.mulf %mul3A_210, %add3A_185 : vector<16xf32>
      %mul3A_212 = arith.mulf %mul3A_211, %mul3A_208 : vector<16xf32>
      %mul3A_213 = arith.mulf %mul3A_212, %mul3A_208 : vector<16xf32>
      %sub3A_214 = arith.constant 1.500000e+00 : f32
      %sub3A_215 = vector.broadcast %sub3A_214 : f32 to vector<16xf32>
      %sub3A_216 = arith.subf %sub3A_215, %mul3A_213 : vector<16xf32>
      %mul3A_217 = arith.mulf %mul3A_208, %sub3A_216 : vector<16xf32>
      %mul3A_218 = arith.constant 16 : i32
      %mul3A_219 = arith.muli %scan3A_71, %mul3A_218 : i32
      %swap3A = arith.index_cast %mul3A_219 : i32 to index
      %swap3A_220 = tpu.vector_load %arg12[%swap3A] {strides = array<i32>} : memref<640xf32, #tpu.memory_space<vmem>>, vector<16xf32>,
      tpu.vector_store %arg12[%swap3A], %mul3A_217 {strides = array<i32>} : memref<640xf32, #tpu.memory_space<vmem>>, vector<16xf32>,
    }
    %scan3A_26 = arith.constant 40 : i32
    %mul3A_27 = arith.constant 640 : i32
    %mul3A_28 = arith.muli %arg1, %mul3A_27 : i32
    "tpu.region"() ({
      %run_scoped3A = tpu.sem_alloc : memref<!tpu.dma_semaphore, #tpu.memory_space<semaphore_mem>>
      %dma_start3A = tpu.memref_slice %arg14[%mul3A_28] : memref<10240xf32, #tpu.memory_space<vmem_shared>> -> memref<640xf32, #tpu.memory_space<vmem_shared>>
      %dma_start3A_71 = tpu.memref_slice %arg14[%mul3A_28] : memref<10240xf32, #tpu.memory_space<vmem_shared>> -> memref<640xf32, #tpu.memory_space<vmem_shared>>
      tpu.enqueue_dma source(%arg12 : memref<640xf32, #tpu.memory_space<vmem>>) target(%dma_start3A_71 : memref<640xf32, #tpu.memory_space<vmem_shared>>) target_semaphore(%run_scoped3A : memref<!tpu.dma_semaphore, #tpu.memory_space<semaphore_mem>>)
      %dma_wait3A = tpu.memref_slice %arg14[%mul3A_28] : memref<10240xf32, #tpu.memory_space<vmem_shared>> -> memref<640xf32, #tpu.memory_space<vmem_shared>>
      %dma_wait3A_72 = tpu.memref_slice %arg14[%mul3A_28] : memref<10240xf32, #tpu.memory_space<vmem_shared>> -> memref<640xf32, #tpu.memory_space<vmem_shared>>
      tpu.wait_dma2 semaphore(%run_scoped3A : memref<!tpu.dma_semaphore, #tpu.memory_space<semaphore_mem>>) src(%arg12 : memref<640xf32, #tpu.memory_space<vmem>>) dst(%dma_wait3A_72 : memref<640xf32, #tpu.memory_space<vmem_shared>>)
      tpu.yield
    }) : () -> ()
    %eq3A = arith.constant 0 : i32
    %eq3A_29 = arith.cmpi eq, %arg0, %eq3A : i32
    %convert_element_type3A = arith.extui %eq3A_29 : i1 to i32
    %cond3A = arith.constant 0 : i32
    %cond3A_30 = arith.cmpi ne, %convert_element_type3A, %cond3A : i32
    scf.if %cond3A_30 {
      %mul3A_71 = arith.constant 640 : i32
      %mul3A_72 = arith.muli %arg1, %mul3A_71 : i32
      "tpu.region"() ({
        %run_scoped3A = tpu.sem_alloc : memref<!tpu.dma_semaphore, #tpu.memory_space<semaphore_mem>>
        %dma_start3A = tpu.memref_slice %arg4[%mul3A_72] : memref<10240xf32, #tpu.memory_space<hbm>> -> memref<640xf32, #tpu.memory_space<hbm>>
        %dma_start3A_73 = tpu.memref_slice %arg4[%mul3A_72] : memref<10240xf32, #tpu.memory_space<hbm>> -> memref<640xf32, #tpu.memory_space<hbm>>
        tpu.enqueue_dma source(%arg12 : memref<640xf32, #tpu.memory_space<vmem>>) target(%dma_start3A_73 : memref<640xf32, #tpu.memory_space<hbm>>) target_semaphore(%run_scoped3A : memref<!tpu.dma_semaphore, #tpu.memory_space<semaphore_mem>>)
        %dma_wait3A = tpu.memref_slice %arg4[%mul3A_72] : memref<10240xf32, #tpu.memory_space<hbm>> -> memref<640xf32, #tpu.memory_space<hbm>>
        %dma_wait3A_74 = tpu.memref_slice %arg4[%mul3A_72] : memref<10240xf32, #tpu.memory_space<hbm>> -> memref<640xf32, #tpu.memory_space<hbm>>
        tpu.wait_dma2 semaphore(%run_scoped3A : memref<!tpu.dma_semaphore, #tpu.memory_space<semaphore_mem>>) src(%arg12 : memref<640xf32, #tpu.memory_space<vmem>>) dst(%dma_wait3A_74 : memref<640xf32, #tpu.memory_space<hbm>>)
        tpu.yield
      }) : () -> ()
    } else {
    }
    %barrier3A_31 = arith.constant 0 : index
    tpu.barrier barrier_id(%barrier3A_31)
    "tpu.region"() ({
      %run_scoped3A = tpu.sem_alloc : memref<!tpu.dma_semaphore, #tpu.memory_space<semaphore_mem>>
      tpu.enqueue_dma source(%arg14 : memref<10240xf32, #tpu.memory_space<vmem_shared>>) target(%arg10 : memref<10240xf32, #tpu.memory_space<vmem>>) target_semaphore(%run_scoped3A : memref<!tpu.dma_semaphore, #tpu.memory_space<semaphore_mem>>)
      tpu.wait_dma2 semaphore(%run_scoped3A : memref<!tpu.dma_semaphore, #tpu.memory_space<semaphore_mem>>) src(%arg14 : memref<10240xf32, #tpu.memory_space<vmem_shared>>) dst(%arg10 : memref<10240xf32, #tpu.memory_space<vmem>>)
      tpu.yield
    }) : () -> ()
    "tpu.region"() ({
      %run_scoped3A = tpu.sem_alloc : memref<!tpu.dma_semaphore, #tpu.memory_space<semaphore_mem>>
      tpu.enqueue_dma source(%arg3 : memref<10240xf32, #tpu.memory_space<hbm>>) target(%arg9 : memref<10240xf32, #tpu.memory_space<vmem>>) target_semaphore(%run_scoped3A : memref<!tpu.dma_semaphore, #tpu.memory_space<semaphore_mem>>)
      tpu.wait_dma2 semaphore(%run_scoped3A : memref<!tpu.dma_semaphore, #tpu.memory_space<semaphore_mem>>) src(%arg3 : memref<10240xf32, #tpu.memory_space<hbm>>) dst(%arg9 : memref<10240xf32, #tpu.memory_space<vmem>>)
      tpu.yield
    }) : () -> ()
    %mul3A_32 = arith.constant 10000 : i32
    %mul3A_33 = arith.muli %arg0, %mul3A_32 : i32
    %add3A_34 = arith.addi %mul3A_0, %mul3A_33 : i32
    "tpu.region"() ({
      %run_scoped3A = tpu.sem_alloc : memref<!tpu.dma_semaphore, #tpu.memory_space<semaphore_mem>>
      %dma_start3A = tpu.memref_slice %arg2[%add3A_34] : memref<640000xi32, #tpu.memory_space<hbm>> -> memref<10000xi32, #tpu.memory_space<hbm>>
      %dma_start3A_71 = tpu.memref_slice %arg2[%add3A_34] : memref<640000xi32, #tpu.memory_space<hbm>> -> memref<10000xi32, #tpu.memory_space<hbm>>
      tpu.enqueue_dma source(%dma_start3A_71 : memref<10000xi32, #tpu.memory_space<hbm>>) target(%arg8 : memref<10000xi32, #tpu.memory_space<vmem>>) target_semaphore(%run_scoped3A : memref<!tpu.dma_semaphore, #tpu.memory_space<semaphore_mem>>)
      %dma_wait3A = tpu.memref_slice %arg2[%add3A_34] : memref<640000xi32, #tpu.memory_space<hbm>> -> memref<10000xi32, #tpu.memory_space<hbm>>
      %dma_wait3A_72 = tpu.memref_slice %arg2[%add3A_34] : memref<640000xi32, #tpu.memory_space<hbm>> -> memref<10000xi32, #tpu.memory_space<hbm>>
      tpu.wait_dma2 semaphore(%run_scoped3A : memref<!tpu.dma_semaphore, #tpu.memory_space<semaphore_mem>>) src(%dma_wait3A_72 : memref<10000xi32, #tpu.memory_space<hbm>>) dst(%arg8 : memref<10000xi32, #tpu.memory_space<vmem>>)
      tpu.yield
    }) : () -> ()
    %scan3A_35 = arith.constant 0 : i32
    %scan3A_36 = arith.constant 0 : i32
    %scan3A_37 = arith.constant 624 : i32
    %scan3A_38 = arith.addi %scan3A_36, %scan3A_37 : i32
    %scan3A_39 = arith.constant 8 : i32
    scf.for %scan3A_71 = %scan3A_36 to %scan3A_38 step %scan3A_39  : i32 {
      %mul3A_72 = arith.constant 16 : i32
      %mul3A_73 = arith.muli %scan3A_71, %mul3A_72 : i32
      %add3A_74 = arith.addi %mul3A_33, %mul3A_73 : i32
      %get3A_75 = arith.index_cast %add3A_74 : i32 to index
      %get3A_76 = tpu.vector_load %arg7[%get3A_75] {strides = array<i32>} : memref<20000xi32, #tpu.memory_space<vmem>>, vector<16xi32>,
      %gather3A_77 = tpu.vector_load_idx %arg10[%get3A_76] : memref<10240xf32, #tpu.memory_space<vmem>>[vector<16xi32>], vector<16xf32>,
      %mul3A_78 = arith.constant 16 : i32
      %mul3A_79 = arith.muli %scan3A_71, %mul3A_78 : i32
      %get3A_80 = arith.index_cast %mul3A_79 : i32 to index
      %get3A_81 = tpu.vector_load %arg8[%get3A_80] {strides = array<i32>} : memref<10000xi32, #tpu.memory_space<vmem>>, vector<16xi32>,
      tpu.vector_store_idx %arg9[%get3A_81], %gather3A_77 {add = true} : memref<10240xf32, #tpu.memory_space<vmem>>[vector<16xi32>], vector<16xf32>,
      %scan3A_82 = arith.constant 1 : i32
      %scan3A_83 = arith.addi %scan3A_71, %scan3A_82 : i32
      %mul3A_84 = arith.constant 16 : i32
      %mul3A_85 = arith.muli %scan3A_83, %mul3A_84 : i32
      %add3A_86 = arith.addi %mul3A_33, %mul3A_85 : i32
      %get3A_87 = arith.index_cast %add3A_86 : i32 to index
      %get3A_88 = tpu.vector_load %arg7[%get3A_87] {strides = array<i32>} : memref<20000xi32, #tpu.memory_space<vmem>>, vector<16xi32>,
      %gather3A_89 = tpu.vector_load_idx %arg10[%get3A_88] : memref<10240xf32, #tpu.memory_space<vmem>>[vector<16xi32>], vector<16xf32>,
      %mul3A_90 = arith.constant 16 : i32
      %mul3A_91 = arith.muli %scan3A_83, %mul3A_90 : i32
      %get3A_92 = arith.index_cast %mul3A_91 : i32 to index
      %get3A_93 = tpu.vector_load %arg8[%get3A_92] {strides = array<i32>} : memref<10000xi32, #tpu.memory_space<vmem>>, vector<16xi32>,
      tpu.vector_store_idx %arg9[%get3A_93], %gather3A_89 {add = true} : memref<10240xf32, #tpu.memory_space<vmem>>[vector<16xi32>], vector<16xf32>,
      %scan3A_94 = arith.constant 2 : i32
      %scan3A_95 = arith.addi %scan3A_71, %scan3A_94 : i32
      %mul3A_96 = arith.constant 16 : i32
      %mul3A_97 = arith.muli %scan3A_95, %mul3A_96 : i32
      %add3A_98 = arith.addi %mul3A_33, %mul3A_97 : i32
      %get3A_99 = arith.index_cast %add3A_98 : i32 to index
      %get3A_100 = tpu.vector_load %arg7[%get3A_99] {strides = array<i32>} : memref<20000xi32, #tpu.memory_space<vmem>>, vector<16xi32>,
      %gather3A_101 = tpu.vector_load_idx %arg10[%get3A_100] : memref<10240xf32, #tpu.memory_space<vmem>>[vector<16xi32>], vector<16xf32>,
      %mul3A_102 = arith.constant 16 : i32
      %mul3A_103 = arith.muli %scan3A_95, %mul3A_102 : i32
      %get3A_104 = arith.index_cast %mul3A_103 : i32 to index
      %get3A_105 = tpu.vector_load %arg8[%get3A_104] {strides = array<i32>} : memref<10000xi32, #tpu.memory_space<vmem>>, vector<16xi32>,
      tpu.vector_store_idx %arg9[%get3A_105], %gather3A_101 {add = true} : memref<10240xf32, #tpu.memory_space<vmem>>[vector<16xi32>], vector<16xf32>,
      %scan3A_106 = arith.constant 3 : i32
      %scan3A_107 = arith.addi %scan3A_71, %scan3A_106 : i32
      %mul3A_108 = arith.constant 16 : i32
      %mul3A_109 = arith.muli %scan3A_107, %mul3A_108 : i32
      %add3A_110 = arith.addi %mul3A_33, %mul3A_109 : i32
      %get3A_111 = arith.index_cast %add3A_110 : i32 to index
      %get3A_112 = tpu.vector_load %arg7[%get3A_111] {strides = array<i32>} : memref<20000xi32, #tpu.memory_space<vmem>>, vector<16xi32>,
      %gather3A_113 = tpu.vector_load_idx %arg10[%get3A_112] : memref<10240xf32, #tpu.memory_space<vmem>>[vector<16xi32>], vector<16xf32>,
      %mul3A_114 = arith.constant 16 : i32
      %mul3A_115 = arith.muli %scan3A_107, %mul3A_114 : i32
      %get3A_116 = arith.index_cast %mul3A_115 : i32 to index
      %get3A_117 = tpu.vector_load %arg8[%get3A_116] {strides = array<i32>} : memref<10000xi32, #tpu.memory_space<vmem>>, vector<16xi32>,
      tpu.vector_store_idx %arg9[%get3A_117], %gather3A_113 {add = true} : memref<10240xf32, #tpu.memory_space<vmem>>[vector<16xi32>], vector<16xf32>,
      %scan3A_118 = arith.constant 4 : i32
      %scan3A_119 = arith.addi %scan3A_71, %scan3A_118 : i32
      %mul3A_120 = arith.constant 16 : i32
      %mul3A_121 = arith.muli %scan3A_119, %mul3A_120 : i32
      %add3A_122 = arith.addi %mul3A_33, %mul3A_121 : i32
      %get3A_123 = arith.index_cast %add3A_122 : i32 to index
      %get3A_124 = tpu.vector_load %arg7[%get3A_123] {strides = array<i32>} : memref<20000xi32, #tpu.memory_space<vmem>>, vector<16xi32>,
      %gather3A_125 = tpu.vector_load_idx %arg10[%get3A_124] : memref<10240xf32, #tpu.memory_space<vmem>>[vector<16xi32>], vector<16xf32>,
      %mul3A_126 = arith.constant 16 : i32
      %mul3A_127 = arith.muli %scan3A_119, %mul3A_126 : i32
      %get3A_128 = arith.index_cast %mul3A_127 : i32 to index
      %get3A_129 = tpu.vector_load %arg8[%get3A_128] {strides = array<i32>} : memref<10000xi32, #tpu.memory_space<vmem>>, vector<16xi32>,
      tpu.vector_store_idx %arg9[%get3A_129], %gather3A_125 {add = true} : memref<10240xf32, #tpu.memory_space<vmem>>[vector<16xi32>], vector<16xf32>,
      %scan3A_130 = arith.constant 5 : i32
      %scan3A_131 = arith.addi %scan3A_71, %scan3A_130 : i32
      %mul3A_132 = arith.constant 16 : i32
      %mul3A_133 = arith.muli %scan3A_131, %mul3A_132 : i32
      %add3A_134 = arith.addi %mul3A_33, %mul3A_133 : i32
      %get3A_135 = arith.index_cast %add3A_134 : i32 to index
      %get3A_136 = tpu.vector_load %arg7[%get3A_135] {strides = array<i32>} : memref<20000xi32, #tpu.memory_space<vmem>>, vector<16xi32>,
      %gather3A_137 = tpu.vector_load_idx %arg10[%get3A_136] : memref<10240xf32, #tpu.memory_space<vmem>>[vector<16xi32>], vector<16xf32>,
      %mul3A_138 = arith.constant 16 : i32
      %mul3A_139 = arith.muli %scan3A_131, %mul3A_138 : i32
      %get3A_140 = arith.index_cast %mul3A_139 : i32 to index
      %get3A_141 = tpu.vector_load %arg8[%get3A_140] {strides = array<i32>} : memref<10000xi32, #tpu.memory_space<vmem>>, vector<16xi32>,
      tpu.vector_store_idx %arg9[%get3A_141], %gather3A_137 {add = true} : memref<10240xf32, #tpu.memory_space<vmem>>[vector<16xi32>], vector<16xf32>,
      %scan3A_142 = arith.constant 6 : i32
      %scan3A_143 = arith.addi %scan3A_71, %scan3A_142 : i32
      %mul3A_144 = arith.constant 16 : i32
      %mul3A_145 = arith.muli %scan3A_143, %mul3A_144 : i32
      %add3A_146 = arith.addi %mul3A_33, %mul3A_145 : i32
      %get3A_147 = arith.index_cast %add3A_146 : i32 to index
      %get3A_148 = tpu.vector_load %arg7[%get3A_147] {strides = array<i32>} : memref<20000xi32, #tpu.memory_space<vmem>>, vector<16xi32>,
      %gather3A_149 = tpu.vector_load_idx %arg10[%get3A_148] : memref<10240xf32, #tpu.memory_space<vmem>>[vector<16xi32>], vector<16xf32>,
      %mul3A_150 = arith.constant 16 : i32
      %mul3A_151 = arith.muli %scan3A_143, %mul3A_150 : i32
      %get3A_152 = arith.index_cast %mul3A_151 : i32 to index
      %get3A_153 = tpu.vector_load %arg8[%get3A_152] {strides = array<i32>} : memref<10000xi32, #tpu.memory_space<vmem>>, vector<16xi32>,
      tpu.vector_store_idx %arg9[%get3A_153], %gather3A_149 {add = true} : memref<10240xf32, #tpu.memory_space<vmem>>[vector<16xi32>], vector<16xf32>,
      %scan3A_154 = arith.constant 7 : i32
      %scan3A_155 = arith.addi %scan3A_71, %scan3A_154 : i32
      %mul3A_156 = arith.constant 16 : i32
      %mul3A_157 = arith.muli %scan3A_155, %mul3A_156 : i32
      %add3A_158 = arith.addi %mul3A_33, %mul3A_157 : i32
      %get3A_159 = arith.index_cast %add3A_158 : i32 to index
      %get3A_160 = tpu.vector_load %arg7[%get3A_159] {strides = array<i32>} : memref<20000xi32, #tpu.memory_space<vmem>>, vector<16xi32>,
      %gather3A_161 = tpu.vector_load_idx %arg10[%get3A_160] : memref<10240xf32, #tpu.memory_space<vmem>>[vector<16xi32>], vector<16xf32>,
      %mul3A_162 = arith.constant 16 : i32
      %mul3A_163 = arith.muli %scan3A_155, %mul3A_162 : i32
      %get3A_164 = arith.index_cast %mul3A_163 : i32 to index
      %get3A_165 = tpu.vector_load %arg8[%get3A_164] {strides = array<i32>} : memref<10000xi32, #tpu.memory_space<vmem>>, vector<16xi32>,
      tpu.vector_store_idx %arg9[%get3A_165], %gather3A_161 {add = true} : memref<10240xf32, #tpu.memory_space<vmem>>[vector<16xi32>], vector<16xf32>,
    }
    %scan3A_40 = arith.constant 624 : i32
    %scan3A_41 = arith.addi %scan3A_36, %scan3A_40 : i32
    %mul3A_42 = arith.constant 16 : i32
    %mul3A_43 = arith.muli %scan3A_41, %mul3A_42 : i32
    %add3A_44 = arith.addi %mul3A_33, %mul3A_43 : i32
    %get3A_45 = arith.index_cast %add3A_44 : i32 to index
    %get3A_46 = tpu.vector_load %arg7[%get3A_45] {strides = array<i32>} : memref<20000xi32, #tpu.memory_space<vmem>>, vector<16xi32>,
    %gather3A = tpu.vector_load_idx %arg10[%get3A_46] : memref<10240xf32, #tpu.memory_space<vmem>>[vector<16xi32>], vector<16xf32>,
    %mul3A_47 = arith.constant 16 : i32
    %mul3A_48 = arith.muli %scan3A_41, %mul3A_47 : i32
    %get3A_49 = arith.index_cast %mul3A_48 : i32 to index
    %get3A_50 = tpu.vector_load %arg8[%get3A_49] {strides = array<i32>} : memref<10000xi32, #tpu.memory_space<vmem>>, vector<16xi32>,
    tpu.vector_store_idx %arg9[%get3A_50], %gather3A {add = true} : memref<10240xf32, #tpu.memory_space<vmem>>[vector<16xi32>], vector<16xf32>,
    %scan3A_51 = arith.constant 625 : i32
    "tpu.region"() ({
      %run_scoped3A = tpu.sem_alloc : memref<!tpu.dma_semaphore, #tpu.memory_space<semaphore_mem>>
      %dma_start3A = arith.constant 0 : i32
      %dma_start3A_71 = tpu.memref_slice %arg13[%arg1, %dma_start3A] : memref<16x10240xf32, #tpu.memory_space<vmem_shared>> -> memref<1x10240xf32, #tpu.memory_space<vmem_shared>>
      %dma_start3A_72 = tpu.memref_squeeze %dma_start3A_71 : memref<1x10240xf32, #tpu.memory_space<vmem_shared>> -> memref<10240xf32, #tpu.memory_space<vmem_shared>>
      %dma_start3A_73 = arith.constant 0 : i32
      %dma_start3A_74 = tpu.memref_slice %arg13[%arg1, %dma_start3A_73] : memref<16x10240xf32, #tpu.memory_space<vmem_shared>> -> memref<1x10240xf32, #tpu.memory_space<vmem_shared>>
      %dma_start3A_75 = tpu.memref_squeeze %dma_start3A_74 : memref<1x10240xf32, #tpu.memory_space<vmem_shared>> -> memref<10240xf32, #tpu.memory_space<vmem_shared>>
      tpu.enqueue_dma source(%arg9 : memref<10240xf32, #tpu.memory_space<vmem>>) target(%dma_start3A_75 : memref<10240xf32, #tpu.memory_space<vmem_shared>>) target_semaphore(%run_scoped3A : memref<!tpu.dma_semaphore, #tpu.memory_space<semaphore_mem>>)
      %dma_wait3A = arith.constant 0 : i32
      %dma_wait3A_76 = tpu.memref_slice %arg13[%arg1, %dma_wait3A] : memref<16x10240xf32, #tpu.memory_space<vmem_shared>> -> memref<1x10240xf32, #tpu.memory_space<vmem_shared>>
      %dma_wait3A_77 = tpu.memref_squeeze %dma_wait3A_76 : memref<1x10240xf32, #tpu.memory_space<vmem_shared>> -> memref<10240xf32, #tpu.memory_space<vmem_shared>>
      %dma_wait3A_78 = arith.constant 0 : i32
      %dma_wait3A_79 = tpu.memref_slice %arg13[%arg1, %dma_wait3A_78] : memref<16x10240xf32, #tpu.memory_space<vmem_shared>> -> memref<1x10240xf32, #tpu.memory_space<vmem_shared>>
      %dma_wait3A_80 = tpu.memref_squeeze %dma_wait3A_79 : memref<1x10240xf32, #tpu.memory_space<vmem_shared>> -> memref<10240xf32, #tpu.memory_space<vmem_shared>>
      tpu.wait_dma2 semaphore(%run_scoped3A : memref<!tpu.dma_semaphore, #tpu.memory_space<semaphore_mem>>) src(%arg9 : memref<10240xf32, #tpu.memory_space<vmem>>) dst(%dma_wait3A_80 : memref<10240xf32, #tpu.memory_space<vmem_shared>>)
      tpu.yield
    }) : () -> ()
    %barrier3A_52 = arith.constant 0 : index
    tpu.barrier barrier_id(%barrier3A_52)
    %mul3A_53 = arith.constant 640 : i32
    %mul3A_54 = arith.muli %arg1, %mul3A_53 : i32
    "tpu.region"() ({
      %run_scoped3A = tpu.sem_alloc : memref<!tpu.dma_semaphore, #tpu.memory_space<semaphore_mem>>
      %dma_start3A = arith.constant 0 : i32
      %dma_start3A_71 = tpu.memref_slice %arg13[%dma_start3A, %mul3A_54] : memref<16x10240xf32, #tpu.memory_space<vmem_shared>> -> memref<16x640xf32, #tpu.memory_space<vmem_shared>>
      %dma_start3A_72 = arith.constant 0 : i32
      %dma_start3A_73 = tpu.memref_slice %arg13[%dma_start3A_72, %mul3A_54] : memref<16x10240xf32, #tpu.memory_space<vmem_shared>> -> memref<16x640xf32, #tpu.memory_space<vmem_shared>>
      tpu.enqueue_dma source(%dma_start3A_73 : memref<16x640xf32, #tpu.memory_space<vmem_shared>>) target(%arg11 : memref<16x640xf32, #tpu.memory_space<vmem>>) target_semaphore(%run_scoped3A : memref<!tpu.dma_semaphore, #tpu.memory_space<semaphore_mem>>)
      %dma_wait3A = arith.constant 0 : i32
      %dma_wait3A_74 = tpu.memref_slice %arg13[%dma_wait3A, %mul3A_54] : memref<16x10240xf32, #tpu.memory_space<vmem_shared>> -> memref<16x640xf32, #tpu.memory_space<vmem_shared>>
      %dma_wait3A_75 = arith.constant 0 : i32
      %dma_wait3A_76 = tpu.memref_slice %arg13[%dma_wait3A_75, %mul3A_54] : memref<16x10240xf32, #tpu.memory_space<vmem_shared>> -> memref<16x640xf32, #tpu.memory_space<vmem_shared>>
      tpu.wait_dma2 semaphore(%run_scoped3A : memref<!tpu.dma_semaphore, #tpu.memory_space<semaphore_mem>>) src(%dma_wait3A_76 : memref<16x640xf32, #tpu.memory_space<vmem_shared>>) dst(%arg11 : memref<16x640xf32, #tpu.memory_space<vmem>>)
      tpu.yield
    }) : () -> ()
    %scan3A_55 = arith.constant 0 : i32
    %scan3A_56 = arith.constant 0 : i32
    %scan3A_57 = arith.constant 40 : i32
    %scan3A_58 = arith.addi %scan3A_56, %scan3A_57 : i32
    %scan3A_59 = arith.constant 1 : i32
    scf.for %scan3A_71 = %scan3A_56 to %scan3A_58 step %scan3A_59  : i32 {
      %broadcast_in_dim3A_72 = arith.constant 0.000000e+00 : f32
      %broadcast_in_dim3A_73 = vector.broadcast %broadcast_in_dim3A_72 : f32 to vector<16xf32>
      %mul3A_74 = arith.constant 16 : i32
      %mul3A_75 = arith.muli %scan3A_71, %mul3A_74 : i32
      %get3A_76 = arith.constant 0 : i32
      %get3A_77 = arith.index_cast %get3A_76 : i32 to index
      %get3A_78 = arith.index_cast %mul3A_75 : i32 to index
      %get3A_79 = tpu.vector_load %arg11[%get3A_77, %get3A_78] {strides = array<i32>} : memref<16x640xf32, #tpu.memory_space<vmem>>, vector<16xf32>,
      %add3A_80 = arith.addf %broadcast_in_dim3A_73, %get3A_79 : vector<16xf32>
      %mul3A_81 = arith.constant 16 : i32
      %mul3A_82 = arith.muli %scan3A_71, %mul3A_81 : i32
      %get3A_83 = arith.constant 1 : i32
      %get3A_84 = arith.index_cast %get3A_83 : i32 to index
      %get3A_85 = arith.index_cast %mul3A_82 : i32 to index
      %get3A_86 = tpu.vector_load %arg11[%get3A_84, %get3A_85] {strides = array<i32>} : memref<16x640xf32, #tpu.memory_space<vmem>>, vector<16xf32>,
      %add3A_87 = arith.addf %add3A_80, %get3A_86 : vector<16xf32>
      %mul3A_88 = arith.constant 16 : i32
      %mul3A_89 = arith.muli %scan3A_71, %mul3A_88 : i32
      %get3A_90 = arith.constant 2 : i32
      %get3A_91 = arith.index_cast %get3A_90 : i32 to index
      %get3A_92 = arith.index_cast %mul3A_89 : i32 to index
      %get3A_93 = tpu.vector_load %arg11[%get3A_91, %get3A_92] {strides = array<i32>} : memref<16x640xf32, #tpu.memory_space<vmem>>, vector<16xf32>,
      %add3A_94 = arith.addf %add3A_87, %get3A_93 : vector<16xf32>
      %mul3A_95 = arith.constant 16 : i32
      %mul3A_96 = arith.muli %scan3A_71, %mul3A_95 : i32
      %get3A_97 = arith.constant 3 : i32
      %get3A_98 = arith.index_cast %get3A_97 : i32 to index
      %get3A_99 = arith.index_cast %mul3A_96 : i32 to index
      %get3A_100 = tpu.vector_load %arg11[%get3A_98, %get3A_99] {strides = array<i32>} : memref<16x640xf32, #tpu.memory_space<vmem>>, vector<16xf32>,
      %add3A_101 = arith.addf %add3A_94, %get3A_100 : vector<16xf32>
      %mul3A_102 = arith.constant 16 : i32
      %mul3A_103 = arith.muli %scan3A_71, %mul3A_102 : i32
      %get3A_104 = arith.constant 4 : i32
      %get3A_105 = arith.index_cast %get3A_104 : i32 to index
      %get3A_106 = arith.index_cast %mul3A_103 : i32 to index
      %get3A_107 = tpu.vector_load %arg11[%get3A_105, %get3A_106] {strides = array<i32>} : memref<16x640xf32, #tpu.memory_space<vmem>>, vector<16xf32>,
      %add3A_108 = arith.addf %add3A_101, %get3A_107 : vector<16xf32>
      %mul3A_109 = arith.constant 16 : i32
      %mul3A_110 = arith.muli %scan3A_71, %mul3A_109 : i32
      %get3A_111 = arith.constant 5 : i32
      %get3A_112 = arith.index_cast %get3A_111 : i32 to index
      %get3A_113 = arith.index_cast %mul3A_110 : i32 to index
      %get3A_114 = tpu.vector_load %arg11[%get3A_112, %get3A_113] {strides = array<i32>} : memref<16x640xf32, #tpu.memory_space<vmem>>, vector<16xf32>,
      %add3A_115 = arith.addf %add3A_108, %get3A_114 : vector<16xf32>
      %mul3A_116 = arith.constant 16 : i32
      %mul3A_117 = arith.muli %scan3A_71, %mul3A_116 : i32
      %get3A_118 = arith.constant 6 : i32
      %get3A_119 = arith.index_cast %get3A_118 : i32 to index
      %get3A_120 = arith.index_cast %mul3A_117 : i32 to index
      %get3A_121 = tpu.vector_load %arg11[%get3A_119, %get3A_120] {strides = array<i32>} : memref<16x640xf32, #tpu.memory_space<vmem>>, vector<16xf32>,
      %add3A_122 = arith.addf %add3A_115, %get3A_121 : vector<16xf32>
      %mul3A_123 = arith.constant 16 : i32
      %mul3A_124 = arith.muli %scan3A_71, %mul3A_123 : i32
      %get3A_125 = arith.constant 7 : i32
      %get3A_126 = arith.index_cast %get3A_125 : i32 to index
      %get3A_127 = arith.index_cast %mul3A_124 : i32 to index
      %get3A_128 = tpu.vector_load %arg11[%get3A_126, %get3A_127] {strides = array<i32>} : memref<16x640xf32, #tpu.memory_space<vmem>>, vector<16xf32>,
      %add3A_129 = arith.addf %add3A_122, %get3A_128 : vector<16xf32>
      %mul3A_130 = arith.constant 16 : i32
      %mul3A_131 = arith.muli %scan3A_71, %mul3A_130 : i32
      %get3A_132 = arith.constant 8 : i32
      %get3A_133 = arith.index_cast %get3A_132 : i32 to index
      %get3A_134 = arith.index_cast %mul3A_131 : i32 to index
      %get3A_135 = tpu.vector_load %arg11[%get3A_133, %get3A_134] {strides = array<i32>} : memref<16x640xf32, #tpu.memory_space<vmem>>, vector<16xf32>,
      %add3A_136 = arith.addf %add3A_129, %get3A_135 : vector<16xf32>
      %mul3A_137 = arith.constant 16 : i32
      %mul3A_138 = arith.muli %scan3A_71, %mul3A_137 : i32
      %get3A_139 = arith.constant 9 : i32
      %get3A_140 = arith.index_cast %get3A_139 : i32 to index
      %get3A_141 = arith.index_cast %mul3A_138 : i32 to index
      %get3A_142 = tpu.vector_load %arg11[%get3A_140, %get3A_141] {strides = array<i32>} : memref<16x640xf32, #tpu.memory_space<vmem>>, vector<16xf32>,
      %add3A_143 = arith.addf %add3A_136, %get3A_142 : vector<16xf32>
      %mul3A_144 = arith.constant 16 : i32
      %mul3A_145 = arith.muli %scan3A_71, %mul3A_144 : i32
      %get3A_146 = arith.constant 10 : i32
      %get3A_147 = arith.index_cast %get3A_146 : i32 to index
      %get3A_148 = arith.index_cast %mul3A_145 : i32 to index
      %get3A_149 = tpu.vector_load %arg11[%get3A_147, %get3A_148] {strides = array<i32>} : memref<16x640xf32, #tpu.memory_space<vmem>>, vector<16xf32>,
      %add3A_150 = arith.addf %add3A_143, %get3A_149 : vector<16xf32>
      %mul3A_151 = arith.constant 16 : i32
      %mul3A_152 = arith.muli %scan3A_71, %mul3A_151 : i32
      %get3A_153 = arith.constant 11 : i32
      %get3A_154 = arith.index_cast %get3A_153 : i32 to index
      %get3A_155 = arith.index_cast %mul3A_152 : i32 to index
      %get3A_156 = tpu.vector_load %arg11[%get3A_154, %get3A_155] {strides = array<i32>} : memref<16x640xf32, #tpu.memory_space<vmem>>, vector<16xf32>,
      %add3A_157 = arith.addf %add3A_150, %get3A_156 : vector<16xf32>
      %mul3A_158 = arith.constant 16 : i32
      %mul3A_159 = arith.muli %scan3A_71, %mul3A_158 : i32
      %get3A_160 = arith.constant 12 : i32
      %get3A_161 = arith.index_cast %get3A_160 : i32 to index
      %get3A_162 = arith.index_cast %mul3A_159 : i32 to index
      %get3A_163 = tpu.vector_load %arg11[%get3A_161, %get3A_162] {strides = array<i32>} : memref<16x640xf32, #tpu.memory_space<vmem>>, vector<16xf32>,
      %add3A_164 = arith.addf %add3A_157, %get3A_163 : vector<16xf32>
      %mul3A_165 = arith.constant 16 : i32
      %mul3A_166 = arith.muli %scan3A_71, %mul3A_165 : i32
      %get3A_167 = arith.constant 13 : i32
      %get3A_168 = arith.index_cast %get3A_167 : i32 to index
      %get3A_169 = arith.index_cast %mul3A_166 : i32 to index
      %get3A_170 = tpu.vector_load %arg11[%get3A_168, %get3A_169] {strides = array<i32>} : memref<16x640xf32, #tpu.memory_space<vmem>>, vector<16xf32>,
      %add3A_171 = arith.addf %add3A_164, %get3A_170 : vector<16xf32>
      %mul3A_172 = arith.constant 16 : i32
      %mul3A_173 = arith.muli %scan3A_71, %mul3A_172 : i32
      %get3A_174 = arith.constant 14 : i32
      %get3A_175 = arith.index_cast %get3A_174 : i32 to index
      %get3A_176 = arith.index_cast %mul3A_173 : i32 to index
      %get3A_177 = tpu.vector_load %arg11[%get3A_175, %get3A_176] {strides = array<i32>} : memref<16x640xf32, #tpu.memory_space<vmem>>, vector<16xf32>,
      %add3A_178 = arith.addf %add3A_171, %get3A_177 : vector<16xf32>
      %mul3A_179 = arith.constant 16 : i32
      %mul3A_180 = arith.muli %scan3A_71, %mul3A_179 : i32
      %get3A_181 = arith.constant 15 : i32
      %get3A_182 = arith.index_cast %get3A_181 : i32 to index
      %get3A_183 = arith.index_cast %mul3A_180 : i32 to index
      %get3A_184 = tpu.vector_load %arg11[%get3A_182, %get3A_183] {strides = array<i32>} : memref<16x640xf32, #tpu.memory_space<vmem>>, vector<16xf32>,
      %add3A_185 = arith.addf %add3A_178, %get3A_184 : vector<16xf32>
      %mul3A_186 = arith.constant 16 : i32
      %mul3A_187 = arith.muli %scan3A_71, %mul3A_186 : i32
      %swap3A = arith.index_cast %mul3A_187 : i32 to index
      %swap3A_188 = tpu.vector_load %arg12[%swap3A] {strides = array<i32>} : memref<640xf32, #tpu.memory_space<vmem>>, vector<16xf32>,
      tpu.vector_store %arg12[%swap3A], %add3A_185 {strides = array<i32>} : memref<640xf32, #tpu.memory_space<vmem>>, vector<16xf32>,
    }
    %scan3A_60 = arith.constant 40 : i32
    %eq3A_61 = arith.constant 0 : i32
    %eq3A_62 = arith.cmpi eq, %arg0, %eq3A_61 : i32
    %convert_element_type3A_63 = arith.extui %eq3A_62 : i1 to i32
    %cond3A_64 = arith.constant 0 : i32
    %cond3A_65 = arith.cmpi ne, %convert_element_type3A_63, %cond3A_64 : i32
    scf.if %cond3A_65 {
      %mul3A_71 = arith.constant 640 : i32
      %mul3A_72 = arith.muli %arg1, %mul3A_71 : i32
      "tpu.region"() ({
        %run_scoped3A = tpu.sem_alloc : memref<!tpu.dma_semaphore, #tpu.memory_space<semaphore_mem>>
        %dma_start3A = tpu.memref_slice %arg5[%mul3A_72] : memref<10240xf32, #tpu.memory_space<hbm>> -> memref<640xf32, #tpu.memory_space<hbm>>
        %dma_start3A_73 = tpu.memref_slice %arg5[%mul3A_72] : memref<10240xf32, #tpu.memory_space<hbm>> -> memref<640xf32, #tpu.memory_space<hbm>>
        tpu.enqueue_dma source(%arg12 : memref<640xf32, #tpu.memory_space<vmem>>) target(%dma_start3A_73 : memref<640xf32, #tpu.memory_space<hbm>>) target_semaphore(%run_scoped3A : memref<!tpu.dma_semaphore, #tpu.memory_space<semaphore_mem>>)
        %dma_wait3A = tpu.memref_slice %arg5[%mul3A_72] : memref<10240xf32, #tpu.memory_space<hbm>> -> memref<640xf32, #tpu.memory_space<hbm>>
        %dma_wait3A_74 = tpu.memref_slice %arg5[%mul3A_72] : memref<10240xf32, #tpu.memory_space<hbm>> -> memref<640xf32, #tpu.memory_space<hbm>>
        tpu.wait_dma2 semaphore(%run_scoped3A : memref<!tpu.dma_semaphore, #tpu.memory_space<semaphore_mem>>) src(%arg12 : memref<640xf32, #tpu.memory_space<vmem>>) dst(%dma_wait3A_74 : memref<640xf32, #tpu.memory_space<hbm>>)
        tpu.yield
      }) : () -> ()
    } else {
    }
    %eq3A_66 = arith.constant 1 : i32
    %eq3A_67 = arith.cmpi eq, %arg0, %eq3A_66 : i32
    %convert_element_type3A_68 = arith.extui %eq3A_67 : i1 to i32
    %cond3A_69 = arith.constant 0 : i32
    %cond3A_70 = arith.cmpi ne, %convert_element_type3A_68, %cond3A_69 : i32
    scf.if %cond3A_70 {
      %mul3A_71 = arith.constant 640 : i32
      %mul3A_72 = arith.muli %arg1, %mul3A_71 : i32
      "tpu.region"() ({
        %run_scoped3A = tpu.sem_alloc : memref<!tpu.dma_semaphore, #tpu.memory_space<semaphore_mem>>
        %dma_start3A = tpu.memref_slice %arg6[%mul3A_72] : memref<10240xf32, #tpu.memory_space<hbm>> -> memref<640xf32, #tpu.memory_space<hbm>>
        %dma_start3A_73 = tpu.memref_slice %arg6[%mul3A_72] : memref<10240xf32, #tpu.memory_space<hbm>> -> memref<640xf32, #tpu.memory_space<hbm>>
        tpu.enqueue_dma source(%arg12 : memref<640xf32, #tpu.memory_space<vmem>>) target(%dma_start3A_73 : memref<640xf32, #tpu.memory_space<hbm>>) target_semaphore(%run_scoped3A : memref<!tpu.dma_semaphore, #tpu.memory_space<semaphore_mem>>)
        %dma_wait3A = tpu.memref_slice %arg6[%mul3A_72] : memref<10240xf32, #tpu.memory_space<hbm>> -> memref<640xf32, #tpu.memory_space<hbm>>
        %dma_wait3A_74 = tpu.memref_slice %arg6[%mul3A_72] : memref<10240xf32, #tpu.memory_space<hbm>> -> memref<640xf32, #tpu.memory_space<hbm>>
        tpu.wait_dma2 semaphore(%run_scoped3A : memref<!tpu.dma_semaphore, #tpu.memory_space<semaphore_mem>>) src(%arg12 : memref<640xf32, #tpu.memory_space<vmem>>) dst(%dma_wait3A_74 : memref<640xf32, #tpu.memory_space<hbm>>)
        tpu.yield
      }) : () -> ()
    } else {
    }
    return
  }
}

module attributes {stable_mosaic.version = 14 : i64} {
  func.func @body(%arg0: memref<10000x128xf32, #tpu.memory_space<vmem>>, %arg1: memref<1x128xf32, #tpu.memory_space<vmem>>, %arg2: memref<384x128xf32, #tpu.memory_space<vmem>>, %arg3: memref<384x128xf32, #tpu.memory_space<vmem>>, %arg4: memref<1x384xf32, #tpu.memory_space<vmem>>, %arg5: memref<1x384xf32, #tpu.memory_space<vmem>>, %arg6: memref<128x128xf32, #tpu.memory_space<vmem>>, %arg7: memref<128x128xf32, #tpu.memory_space<vmem>>, %arg8: memref<79x128xf32, #tpu.memory_space<vmem>>, %arg9: memref<128x128xf32, #tpu.memory_space<vmem>>) attributes {dimension_semantics = [], scalar_prefetch = 0 : i64, scratch_operands = 2 : i64, tpu.core_type = #tpu.core_type<tc>} {
    %get3A = arith.constant 0 : index
    %get3A_0 = arith.constant 0 : index
    %get3A_1 = vector.load %arg1[%get3A, %get3A_0] : memref<1x128xf32, #tpu.memory_space<vmem>>, vector<1x128xf32>
    %mul3A = arith.mulf %get3A_1, %get3A_1 : vector<1x128xf32>
    %reduce_sum3A = vector.shape_cast %mul3A : vector<1x128xf32> to vector<1x1x128xf32>
    %reduce_sum3A_2 = arith.constant dense<0.000000e+00> : vector<1xf32>
    %reduce_sum3A_3 = vector.multi_reduction <add>, %reduce_sum3A, %reduce_sum3A_2 [1, 2] : vector<1x1x128xf32> to vector<1xf32>
    %reduce_sum3A_4 = vector.shape_cast %reduce_sum3A_3 : vector<1xf32> to vector<1x1x1xf32>
    %reduce_sum3A_5 = vector.extract %reduce_sum3A_4[0, 0, 0] : f32 from vector<1x1x1xf32>
    %sqrt3A = math.sqrt %reduce_sum3A_5 : f32
    %div3A = arith.constant 1.000000e+00 : f32
    %div3A_6 = arith.divf %div3A, %sqrt3A : f32
    %scan3A = arith.constant 0 : i32
    %scan3A_7 = arith.constant 78 : i32
    %scan3A_8 = arith.addi %scan3A, %scan3A_7 : i32
    %scan3A_9 = arith.constant 6 : i32
    scf.for %scan3A_88 = %scan3A to %scan3A_8 step %scan3A_9  : i32 {
      %mul3A_89 = arith.constant 128 : i32
      %mul3A_90 = arith.muli %scan3A_88, %mul3A_89 : i32
      %get3A_91 = arith.index_cast %mul3A_90 : i32 to index
      %get3A_92 = arith.constant 0 : index
      %get3A_93 = vector.load %arg0[%get3A_91, %get3A_92] : memref<10000x128xf32, #tpu.memory_space<vmem>>, vector<128x128xf32>
      %dot_general3A_94 = arith.constant dense<0.000000e+00> : vector<1x128xf32>
      %dot_general3A_95 = tpu.matmul %get3A_1, %get3A_93, %dot_general3A_94 {dimension_numbers = #tpu.dot_dimension_numbers<[1], [1], [0], [0], [0, 0, 1, 0], [], []>, transpose_lhs_hint = false} : vector<1x128xf32>, vector<128x128xf32>, vector<1x128xf32> -> vector<1x128xf32>
      %swap3A_96 = arith.index_cast %scan3A_88 : i32 to index
      %swap3A_97 = arith.constant 0 : index
      %swap3A_98 = vector.load %arg8[%swap3A_96, %swap3A_97] : memref<79x128xf32, #tpu.memory_space<vmem>>, vector<1x128xf32>
      tpu.vector_store %arg8[%swap3A_96, %swap3A_97], %dot_general3A_95 {strides = array<i32>} : memref<79x128xf32, #tpu.memory_space<vmem>>, vector<1x128xf32>,
      %scan3A_99 = arith.constant 1 : i32
      %scan3A_100 = arith.addi %scan3A_88, %scan3A_99 : i32
      %mul3A_101 = arith.constant 128 : i32
      %mul3A_102 = arith.muli %scan3A_100, %mul3A_101 : i32
      %get3A_103 = arith.index_cast %mul3A_102 : i32 to index
      %get3A_104 = arith.constant 0 : index
      %get3A_105 = vector.load %arg0[%get3A_103, %get3A_104] : memref<10000x128xf32, #tpu.memory_space<vmem>>, vector<128x128xf32>
      %dot_general3A_106 = arith.constant dense<0.000000e+00> : vector<1x128xf32>
      %dot_general3A_107 = tpu.matmul %get3A_1, %get3A_105, %dot_general3A_106 {dimension_numbers = #tpu.dot_dimension_numbers<[1], [1], [0], [0], [0, 0, 1, 0], [], []>, transpose_lhs_hint = false} : vector<1x128xf32>, vector<128x128xf32>, vector<1x128xf32> -> vector<1x128xf32>
      %swap3A_108 = arith.index_cast %scan3A_100 : i32 to index
      %swap3A_109 = arith.constant 0 : index
      %swap3A_110 = vector.load %arg8[%swap3A_108, %swap3A_109] : memref<79x128xf32, #tpu.memory_space<vmem>>, vector<1x128xf32>
      tpu.vector_store %arg8[%swap3A_108, %swap3A_109], %dot_general3A_107 {strides = array<i32>} : memref<79x128xf32, #tpu.memory_space<vmem>>, vector<1x128xf32>,
      %scan3A_111 = arith.constant 2 : i32
      %scan3A_112 = arith.addi %scan3A_88, %scan3A_111 : i32
      %mul3A_113 = arith.constant 128 : i32
      %mul3A_114 = arith.muli %scan3A_112, %mul3A_113 : i32
      %get3A_115 = arith.index_cast %mul3A_114 : i32 to index
      %get3A_116 = arith.constant 0 : index
      %get3A_117 = vector.load %arg0[%get3A_115, %get3A_116] : memref<10000x128xf32, #tpu.memory_space<vmem>>, vector<128x128xf32>
      %dot_general3A_118 = arith.constant dense<0.000000e+00> : vector<1x128xf32>
      %dot_general3A_119 = tpu.matmul %get3A_1, %get3A_117, %dot_general3A_118 {dimension_numbers = #tpu.dot_dimension_numbers<[1], [1], [0], [0], [0, 0, 1, 0], [], []>, transpose_lhs_hint = false} : vector<1x128xf32>, vector<128x128xf32>, vector<1x128xf32> -> vector<1x128xf32>
      %swap3A_120 = arith.index_cast %scan3A_112 : i32 to index
      %swap3A_121 = arith.constant 0 : index
      %swap3A_122 = vector.load %arg8[%swap3A_120, %swap3A_121] : memref<79x128xf32, #tpu.memory_space<vmem>>, vector<1x128xf32>
      tpu.vector_store %arg8[%swap3A_120, %swap3A_121], %dot_general3A_119 {strides = array<i32>} : memref<79x128xf32, #tpu.memory_space<vmem>>, vector<1x128xf32>,
      %scan3A_123 = arith.constant 3 : i32
      %scan3A_124 = arith.addi %scan3A_88, %scan3A_123 : i32
      %mul3A_125 = arith.constant 128 : i32
      %mul3A_126 = arith.muli %scan3A_124, %mul3A_125 : i32
      %get3A_127 = arith.index_cast %mul3A_126 : i32 to index
      %get3A_128 = arith.constant 0 : index
      %get3A_129 = vector.load %arg0[%get3A_127, %get3A_128] : memref<10000x128xf32, #tpu.memory_space<vmem>>, vector<128x128xf32>
      %dot_general3A_130 = arith.constant dense<0.000000e+00> : vector<1x128xf32>
      %dot_general3A_131 = tpu.matmul %get3A_1, %get3A_129, %dot_general3A_130 {dimension_numbers = #tpu.dot_dimension_numbers<[1], [1], [0], [0], [0, 0, 1, 0], [], []>, transpose_lhs_hint = false} : vector<1x128xf32>, vector<128x128xf32>, vector<1x128xf32> -> vector<1x128xf32>
      %swap3A_132 = arith.index_cast %scan3A_124 : i32 to index
      %swap3A_133 = arith.constant 0 : index
      %swap3A_134 = vector.load %arg8[%swap3A_132, %swap3A_133] : memref<79x128xf32, #tpu.memory_space<vmem>>, vector<1x128xf32>
      tpu.vector_store %arg8[%swap3A_132, %swap3A_133], %dot_general3A_131 {strides = array<i32>} : memref<79x128xf32, #tpu.memory_space<vmem>>, vector<1x128xf32>,
      %scan3A_135 = arith.constant 4 : i32
      %scan3A_136 = arith.addi %scan3A_88, %scan3A_135 : i32
      %mul3A_137 = arith.constant 128 : i32
      %mul3A_138 = arith.muli %scan3A_136, %mul3A_137 : i32
      %get3A_139 = arith.index_cast %mul3A_138 : i32 to index
      %get3A_140 = arith.constant 0 : index
      %get3A_141 = vector.load %arg0[%get3A_139, %get3A_140] : memref<10000x128xf32, #tpu.memory_space<vmem>>, vector<128x128xf32>
      %dot_general3A_142 = arith.constant dense<0.000000e+00> : vector<1x128xf32>
      %dot_general3A_143 = tpu.matmul %get3A_1, %get3A_141, %dot_general3A_142 {dimension_numbers = #tpu.dot_dimension_numbers<[1], [1], [0], [0], [0, 0, 1, 0], [], []>, transpose_lhs_hint = false} : vector<1x128xf32>, vector<128x128xf32>, vector<1x128xf32> -> vector<1x128xf32>
      %swap3A_144 = arith.index_cast %scan3A_136 : i32 to index
      %swap3A_145 = arith.constant 0 : index
      %swap3A_146 = vector.load %arg8[%swap3A_144, %swap3A_145] : memref<79x128xf32, #tpu.memory_space<vmem>>, vector<1x128xf32>
      tpu.vector_store %arg8[%swap3A_144, %swap3A_145], %dot_general3A_143 {strides = array<i32>} : memref<79x128xf32, #tpu.memory_space<vmem>>, vector<1x128xf32>,
      %scan3A_147 = arith.constant 5 : i32
      %scan3A_148 = arith.addi %scan3A_88, %scan3A_147 : i32
      %mul3A_149 = arith.constant 128 : i32
      %mul3A_150 = arith.muli %scan3A_148, %mul3A_149 : i32
      %get3A_151 = arith.index_cast %mul3A_150 : i32 to index
      %get3A_152 = arith.constant 0 : index
      %get3A_153 = vector.load %arg0[%get3A_151, %get3A_152] : memref<10000x128xf32, #tpu.memory_space<vmem>>, vector<128x128xf32>
      %dot_general3A_154 = arith.constant dense<0.000000e+00> : vector<1x128xf32>
      %dot_general3A_155 = tpu.matmul %get3A_1, %get3A_153, %dot_general3A_154 {dimension_numbers = #tpu.dot_dimension_numbers<[1], [1], [0], [0], [0, 0, 1, 0], [], []>, transpose_lhs_hint = false} : vector<1x128xf32>, vector<128x128xf32>, vector<1x128xf32> -> vector<1x128xf32>
      %swap3A_156 = arith.index_cast %scan3A_148 : i32 to index
      %swap3A_157 = arith.constant 0 : index
      %swap3A_158 = vector.load %arg8[%swap3A_156, %swap3A_157] : memref<79x128xf32, #tpu.memory_space<vmem>>, vector<1x128xf32>
      tpu.vector_store %arg8[%swap3A_156, %swap3A_157], %dot_general3A_155 {strides = array<i32>} : memref<79x128xf32, #tpu.memory_space<vmem>>, vector<1x128xf32>,
    }
    %scan3A_10 = arith.constant 78 : i32
    %get3A_11 = arith.constant 9984 : index
    %get3A_12 = arith.constant 0 : index
    %get3A_13 = vector.load %arg0[%get3A_11, %get3A_12] : memref<10000x128xf32, #tpu.memory_space<vmem>>, vector<16x128xf32>
    %dot_general3A = arith.constant dense<0.000000e+00> : vector<1x16xf32>
    %dot_general3A_14 = tpu.matmul %get3A_1, %get3A_13, %dot_general3A {dimension_numbers = #tpu.dot_dimension_numbers<[1], [1], [0], [0], [0, 0, 1, 0], [], []>, transpose_lhs_hint = false} : vector<1x128xf32>, vector<16x128xf32>, vector<1x16xf32> -> vector<1x16xf32>
    %broadcast_in_dim3A = arith.constant -1.000000e+30 : f32
    %broadcast_in_dim3A_15 = vector.broadcast %broadcast_in_dim3A : f32 to vector<1x112xf32>
    %concatenate3A = tpu.concatenate %dot_general3A_14, %broadcast_in_dim3A_15 in 1 : vector<1x16xf32>, vector<1x112xf32> -> vector<1x128xf32>
    %swap3A = arith.constant 78 : index
    %swap3A_16 = arith.constant 0 : index
    %swap3A_17 = vector.load %arg8[%swap3A, %swap3A_16] : memref<79x128xf32, #tpu.memory_space<vmem>>, vector<1x128xf32>
    tpu.vector_store %arg8[%swap3A, %swap3A_16], %concatenate3A {strides = array<i32>} : memref<79x128xf32, #tpu.memory_space<vmem>>, vector<1x128xf32>,
    %iota3A = tpu.iota {dimensions = array<i32: 0>} : vector<79x128xi32>
    %iota3A_18 = tpu.iota {dimensions = array<i32: 1>} : vector<79x128xi32>
    %mul3A_19 = arith.constant 128 : i32
    %mul3A_20 = vector.broadcast %mul3A_19 : i32 to vector<79x128xi32>
    %mul3A_21 = arith.muli %iota3A, %mul3A_20 : vector<79x128xi32>
    %add3A = arith.addi %mul3A_21, %iota3A_18 : vector<79x128xi32>
    %convert_element_type3A = arith.sitofp %add3A : vector<79x128xi32> to vector<79x128xf32>
    %lt3A = arith.constant 1.000000e+04 : f32
    %lt3A_22 = vector.broadcast %lt3A : f32 to vector<79x128xf32>
    %lt3A_23 = arith.cmpf olt, %convert_element_type3A, %lt3A_22 : vector<79x128xf32>
    %get3A_24 = arith.constant 0 : index
    %get3A_25 = arith.constant 0 : index
    %get3A_26 = vector.load %arg8[%get3A_24, %get3A_25] : memref<79x128xf32, #tpu.memory_space<vmem>>, vector<79x128xf32>
    %jit3A = arith.constant -1.000000e+30 : f32
    %broadcast_in_dim3A_27 = vector.broadcast %jit3A : f32 to vector<79x128xf32>
    %select_n3A = arith.select %lt3A_23, %get3A_26, %broadcast_in_dim3A_27 : vector<79x128xi1>, vector<79x128xf32>
    %scan3A_28 = arith.constant 0 : i32
    %scan3A_29 = arith.constant 128 : i32
    %scan3A_30 = arith.addi %scan3A_28, %scan3A_29 : i32
    %scan3A_31 = arith.constant 1 : i32
    %scan3A_32 = scf.for %scan3A_88 = %scan3A_28 to %scan3A_30 step %scan3A_31 iter_args(%scan3A_89 = %select_n3A) -> (vector<79x128xf32>)  : i32 {
      %reduce_max3A = vector.shape_cast %scan3A_89 : vector<79x128xf32> to vector<1x79x128xf32>
      %reduce_max3A_90 = arith.constant dense<0xFF800000> : vector<1xf32>
      %reduce_max3A_91 = vector.multi_reduction <maximumf>, %reduce_max3A, %reduce_max3A_90 [1, 2] : vector<1x79x128xf32> to vector<1xf32>
      %reduce_max3A_92 = vector.shape_cast %reduce_max3A_91 : vector<1xf32> to vector<1x1x1xf32>
      %reduce_max3A_93 = vector.extract %reduce_max3A_92[0, 0, 0] : f32 from vector<1x1x1xf32>
      %eq3A = vector.broadcast %reduce_max3A_93 : f32 to vector<79x128xf32>
      %eq3A_94 = arith.cmpf oeq, %scan3A_89, %eq3A : vector<79x128xf32>
      %jit3A_95 = arith.constant 1.000000e+09 : f32
      %broadcast_in_dim3A_96 = vector.broadcast %jit3A_95 : f32 to vector<79x128xf32>
      %select_n3A_97 = arith.select %eq3A_94, %convert_element_type3A, %broadcast_in_dim3A_96 : vector<79x128xi1>, vector<79x128xf32>
      %reduce_min3A = vector.shape_cast %select_n3A_97 : vector<79x128xf32> to vector<1x79x128xf32>
      %reduce_min3A_98 = arith.constant dense<0x7F800000> : vector<1xf32>
      %reduce_min3A_99 = vector.multi_reduction <minimumf>, %reduce_min3A, %reduce_min3A_98 [1, 2] : vector<1x79x128xf32> to vector<1xf32>
      %reduce_min3A_100 = vector.shape_cast %reduce_min3A_99 : vector<1xf32> to vector<1x1x1xf32>
      %reduce_min3A_101 = vector.extract %reduce_min3A_100[0, 0, 0] : f32 from vector<1x1x1xf32>
      %convert_element_type3A_102 = arith.fptosi %reduce_min3A_101 : f32 to i32
      %get3A_103 = arith.index_cast %convert_element_type3A_102 : i32 to index
      %get3A_104 = arith.constant 0 : index
      %get3A_105 = vector.load %arg0[%get3A_103, %get3A_104] : memref<10000x128xf32, #tpu.memory_space<vmem>>, vector<1x128xf32>
      %mul3A_106 = arith.mulf %reduce_max3A_93, %div3A_6 : f32
      %tanh3A_107 = math.tanh %mul3A_106 : f32
      %mul3A_108 = vector.broadcast %tanh3A_107 : f32 to vector<1x128xf32>
      %mul3A_109 = arith.mulf %get3A_105, %mul3A_108 : vector<1x128xf32>
      %swap3A_110 = arith.index_cast %scan3A_88 : i32 to index
      %swap3A_111 = arith.constant 0 : index
      %swap3A_112 = vector.load %arg9[%swap3A_110, %swap3A_111] : memref<128x128xf32, #tpu.memory_space<vmem>>, vector<1x128xf32>
      tpu.vector_store %arg9[%swap3A_110, %swap3A_111], %mul3A_109 {strides = array<i32>} : memref<128x128xf32, #tpu.memory_space<vmem>>, vector<1x128xf32>,
      %eq3A_113 = vector.broadcast %reduce_min3A_101 : f32 to vector<79x128xf32>
      %eq3A_114 = arith.cmpf oeq, %convert_element_type3A, %eq3A_113 : vector<79x128xf32>
      %jit3A_115 = arith.constant -2.000000e+30 : f32
      %broadcast_in_dim3A_116 = vector.broadcast %jit3A_115 : f32 to vector<79x128xf32>
      %select_n3A_117 = arith.select %eq3A_114, %broadcast_in_dim3A_116, %scan3A_89 : vector<79x128xi1>, vector<79x128xf32>
      scf.yield %select_n3A_117 : vector<79x128xf32>
    }
    %scan3A_33 = arith.constant 128 : i32
    %get3A_34 = arith.constant 0 : index
    %get3A_35 = arith.constant 0 : index
    %get3A_36 = vector.load %arg9[%get3A_34, %get3A_35] : memref<128x128xf32, #tpu.memory_space<vmem>>, vector<128x128xf32>
    %get3A_37 = arith.constant 0 : index
    %get3A_38 = arith.constant 0 : index
    %get3A_39 = vector.load %arg2[%get3A_37, %get3A_38] : memref<384x128xf32, #tpu.memory_space<vmem>>, vector<384x128xf32>
    %dot_general3A_40 = arith.constant dense<0.000000e+00> : vector<128x384xf32>
    %dot_general3A_41 = tpu.matmul %get3A_36, %get3A_39, %dot_general3A_40 {dimension_numbers = #tpu.dot_dimension_numbers<[1], [1], [0], [0], [0, 0, 1, 0], [], []>, transpose_lhs_hint = false} : vector<128x128xf32>, vector<384x128xf32>, vector<128x384xf32> -> vector<128x384xf32>
    %get3A_42 = arith.constant 0 : index
    %get3A_43 = arith.constant 0 : index
    %get3A_44 = vector.load %arg4[%get3A_42, %get3A_43] : memref<1x384xf32, #tpu.memory_space<vmem>>, vector<1x384xf32>
    %add3A_45 = vector.broadcast %get3A_44 : vector<1x384xf32> to vector<128x384xf32>
    %add3A_46 = arith.addf %dot_general3A_41, %add3A_45 : vector<128x384xf32>
    %get3A_47 = arith.constant 0 : index
    %get3A_48 = arith.constant 0 : index
    %get3A_49 = vector.load %arg6[%get3A_47, %get3A_48] : memref<128x128xf32, #tpu.memory_space<vmem>>, vector<128x128xf32>
    %get3A_50 = arith.constant 0 : index
    %get3A_51 = arith.constant 0 : index
    %get3A_52 = vector.load %arg3[%get3A_50, %get3A_51] : memref<384x128xf32, #tpu.memory_space<vmem>>, vector<384x128xf32>
    %dot_general3A_53 = arith.constant dense<0.000000e+00> : vector<128x384xf32>
    %dot_general3A_54 = tpu.matmul %get3A_49, %get3A_52, %dot_general3A_53 {dimension_numbers = #tpu.dot_dimension_numbers<[1], [1], [0], [0], [0, 0, 1, 0], [], []>, transpose_lhs_hint = false} : vector<128x128xf32>, vector<384x128xf32>, vector<128x384xf32> -> vector<128x384xf32>
    %get3A_55 = arith.constant 0 : index
    %get3A_56 = arith.constant 0 : index
    %get3A_57 = vector.load %arg5[%get3A_55, %get3A_56] : memref<1x384xf32, #tpu.memory_space<vmem>>, vector<1x384xf32>
    %add3A_58 = vector.broadcast %get3A_57 : vector<1x384xf32> to vector<128x384xf32>
    %add3A_59 = arith.addf %dot_general3A_54, %add3A_58 : vector<128x384xf32>
    %slice3A = vector.extract_strided_slice %add3A_46 {offsets = [0, 0], sizes = [128, 128], strides = [1, 1]} : vector<128x384xf32> to vector<128x128xf32>
    %slice3A_60 = vector.extract_strided_slice %add3A_46 {offsets = [0, 128], sizes = [128, 128], strides = [1, 1]} : vector<128x384xf32> to vector<128x128xf32>
    %slice3A_61 = vector.extract_strided_slice %add3A_46 {offsets = [0, 256], sizes = [128, 128], strides = [1, 1]} : vector<128x384xf32> to vector<128x128xf32>
    %slice3A_62 = vector.extract_strided_slice %add3A_59 {offsets = [0, 0], sizes = [128, 128], strides = [1, 1]} : vector<128x384xf32> to vector<128x128xf32>
    %slice3A_63 = vector.extract_strided_slice %add3A_59 {offsets = [0, 128], sizes = [128, 128], strides = [1, 1]} : vector<128x384xf32> to vector<128x128xf32>
    %slice3A_64 = vector.extract_strided_slice %add3A_59 {offsets = [0, 256], sizes = [128, 128], strides = [1, 1]} : vector<128x384xf32> to vector<128x128xf32>
    %add3A_65 = arith.addf %slice3A, %slice3A_62 : vector<128x128xf32>
    %logistic3A = arith.negf %add3A_65 : vector<128x128xf32>
    %logistic3A_66 = math.exp %logistic3A : vector<128x128xf32>
    %logistic3A_67 = arith.constant 1.000000e+00 : f32
    %logistic3A_68 = vector.broadcast %logistic3A_67 : f32 to vector<128x128xf32>
    %logistic3A_69 = arith.addf %logistic3A_68, %logistic3A_66 : vector<128x128xf32>
    %logistic3A_70 = arith.divf %logistic3A_68, %logistic3A_69 : vector<128x128xf32>
    %add3A_71 = arith.addf %slice3A_60, %slice3A_63 : vector<128x128xf32>
    %logistic3A_72 = arith.negf %add3A_71 : vector<128x128xf32>
    %logistic3A_73 = math.exp %logistic3A_72 : vector<128x128xf32>
    %logistic3A_74 = arith.constant 1.000000e+00 : f32
    %logistic3A_75 = vector.broadcast %logistic3A_74 : f32 to vector<128x128xf32>
    %logistic3A_76 = arith.addf %logistic3A_75, %logistic3A_73 : vector<128x128xf32>
    %logistic3A_77 = arith.divf %logistic3A_75, %logistic3A_76 : vector<128x128xf32>
    %mul3A_78 = arith.mulf %logistic3A_70, %slice3A_64 : vector<128x128xf32>
    %add3A_79 = arith.addf %slice3A_61, %mul3A_78 : vector<128x128xf32>
    %tanh3A = math.tanh %add3A_79 : vector<128x128xf32>
    %sub3A = arith.constant 1.000000e+00 : f32
    %sub3A_80 = vector.broadcast %sub3A : f32 to vector<128x128xf32>
    %sub3A_81 = arith.subf %sub3A_80, %logistic3A_77 : vector<128x128xf32>
    %mul3A_82 = arith.mulf %sub3A_81, %tanh3A : vector<128x128xf32>
    %mul3A_83 = arith.mulf %logistic3A_77, %get3A_49 : vector<128x128xf32>
    %add3A_84 = arith.addf %mul3A_82, %mul3A_83 : vector<128x128xf32>
    %swap3A_85 = arith.constant 0 : index
    %swap3A_86 = arith.constant 0 : index
    %swap3A_87 = vector.load %arg7[%swap3A_85, %swap3A_86] : memref<128x128xf32, #tpu.memory_space<vmem>>, vector<128x128xf32>
    tpu.vector_store %arg7[%swap3A_85, %swap3A_86], %add3A_84 {strides = array<i32>} : memref<128x128xf32, #tpu.memory_space<vmem>>, vector<128x128xf32>,
    return
  }
}

module attributes {stable_mosaic.version = 14 : i64} {
  func.func @body(%arg0: memref<1x10240xf32, #tpu.memory_space<vmem>>, %arg1: memref<1x10240xf32, #tpu.memory_space<vmem>>, %arg2: memref<1x10240xf32, #tpu.memory_space<vmem>>, %arg3: memref<10240x128xf32, #tpu.memory_space<vmem>>, %arg4: memref<128x128xf32, #tpu.memory_space<vmem>>, %arg5: memref<256x128xf32, #tpu.memory_space<vmem>>, %arg6: memref<1x256xf32, #tpu.memory_space<vmem>>, %arg7: memref<1x768xf32, #tpu.memory_space<vmem>>, %arg8: memref<256x768xf32, #tpu.memory_space<vmem>>, %arg9: memref<1x256xf32, #tpu.memory_space<vmem>>, %arg10: memref<1x512xf32, #tpu.memory_space<vmem>>, %arg11: memref<1x512xf32, #tpu.memory_space<vmem>>, %arg12: memref<256x512xf32, #tpu.memory_space<vmem>>, %arg13: memref<1x256xf32, #tpu.memory_space<vmem>>, %arg14: memref<256x10xf32, #tpu.memory_space<vmem>>, %arg15: memref<1x10xf32, #tpu.memory_space<vmem>>, %arg16: memref<256x1xf32, #tpu.memory_space<vmem>>, %arg17: memref<1x1xf32, #tpu.memory_space<vmem>>, %arg18: memref<1x10xf32, #tpu.memory_space<vmem>>, %arg19: memref<1x1xf32, #tpu.memory_space<vmem>>) attributes {dimension_semantics = [], scalar_prefetch = 0 : i64, scratch_operands = 0 : i64, tpu.core_type = #tpu.core_type<tc>} {
    %get3A = arith.constant 0 : index
    %get3A_0 = arith.constant 0 : index
    %get3A_1 = vector.load %arg0[%get3A, %get3A_0] : memref<1x10240xf32, #tpu.memory_space<vmem>>, vector<1x10240xf32>
    %get3A_2 = arith.constant 0 : index
    %get3A_3 = arith.constant 0 : index
    %get3A_4 = vector.load %arg1[%get3A_2, %get3A_3] : memref<1x10240xf32, #tpu.memory_space<vmem>>, vector<1x10240xf32>
    %get3A_5 = arith.constant 0 : index
    %get3A_6 = arith.constant 0 : index
    %get3A_7 = vector.load %arg2[%get3A_5, %get3A_6] : memref<1x10240xf32, #tpu.memory_space<vmem>>, vector<1x10240xf32>
    %add3A = arith.addf %get3A_4, %get3A_7 : vector<1x10240xf32>
    %add3A_8 = arith.addf %add3A, %get3A_1 : vector<1x10240xf32>
    %mul3A = arith.mulf %get3A_1, %add3A_8 : vector<1x10240xf32>
    %get3A_9 = arith.constant 0 : index
    %get3A_10 = arith.constant 0 : index
    %get3A_11 = vector.load %arg3[%get3A_9, %get3A_10] : memref<10240x128xf32, #tpu.memory_space<vmem>>, vector<10240x128xf32>
    %dot_general3A = arith.constant dense<0.000000e+00> : vector<1x128xf32>
    %dot_general3A_12 = tpu.matmul %mul3A, %get3A_11, %dot_general3A {dimension_numbers = #tpu.dot_dimension_numbers<[1], [0], [0], [1], [0, 0, 1, 1], [], []>, transpose_lhs_hint = false} : vector<1x10240xf32>, vector<10240x128xf32>, vector<1x128xf32> -> vector<1x128xf32>
    %get3A_13 = arith.constant 0 : index
    %get3A_14 = arith.constant 0 : index
    %get3A_15 = vector.load %arg4[%get3A_13, %get3A_14] : memref<128x128xf32, #tpu.memory_space<vmem>>, vector<128x128xf32>
    %dot_general3A_16 = arith.constant dense<0.000000e+00> : vector<1x128xf32>
    %dot_general3A_17 = tpu.matmul %dot_general3A_12, %get3A_15, %dot_general3A_16 {dimension_numbers = #tpu.dot_dimension_numbers<[1], [0], [0], [1], [0, 0, 1, 1], [], []>, transpose_lhs_hint = false} : vector<1x128xf32>, vector<128x128xf32>, vector<1x128xf32> -> vector<1x128xf32>
    %mul3A_18 = arith.constant 9.99999974E-5 : f32
    %mul3A_19 = vector.broadcast %mul3A_18 : f32 to vector<1x128xf32>
    %mul3A_20 = arith.mulf %dot_general3A_17, %mul3A_19 : vector<1x128xf32>
    %get3A_21 = arith.constant 0 : index
    %get3A_22 = arith.constant 0 : index
    %get3A_23 = vector.load %arg5[%get3A_21, %get3A_22] : memref<256x128xf32, #tpu.memory_space<vmem>>, vector<256x128xf32>
    %dot_general3A_24 = arith.constant dense<0.000000e+00> : vector<1x256xf32>
    %dot_general3A_25 = tpu.matmul %mul3A_20, %get3A_23, %dot_general3A_24 {dimension_numbers = #tpu.dot_dimension_numbers<[1], [1], [0], [0], [0, 0, 1, 0], [], []>, transpose_lhs_hint = false} : vector<1x128xf32>, vector<256x128xf32>, vector<1x256xf32> -> vector<1x256xf32>
    %get3A_26 = arith.constant 0 : index
    %get3A_27 = arith.constant 0 : index
    %get3A_28 = vector.load %arg6[%get3A_26, %get3A_27] : memref<1x256xf32, #tpu.memory_space<vmem>>, vector<1x256xf32>
    %add3A_29 = arith.addf %dot_general3A_25, %get3A_28 : vector<1x256xf32>
    %get3A_30 = arith.constant 0 : index
    %get3A_31 = arith.constant 0 : index
    %get3A_32 = vector.load %arg7[%get3A_30, %get3A_31] : memref<1x768xf32, #tpu.memory_space<vmem>>, vector<1x768xf32>
    %get3A_33 = arith.constant 0 : index
    %get3A_34 = arith.constant 0 : index
    %get3A_35 = vector.load %arg8[%get3A_33, %get3A_34] : memref<256x768xf32, #tpu.memory_space<vmem>>, vector<256x768xf32>
    %dot_general3A_36 = arith.constant dense<0.000000e+00> : vector<1x256xf32>
    %dot_general3A_37 = tpu.matmul %get3A_32, %get3A_35, %dot_general3A_36 {dimension_numbers = #tpu.dot_dimension_numbers<[1], [1], [0], [0], [0, 0, 1, 0], [], []>, transpose_lhs_hint = false} : vector<1x768xf32>, vector<256x768xf32>, vector<1x256xf32> -> vector<1x256xf32>
    %get3A_38 = arith.constant 0 : index
    %get3A_39 = arith.constant 0 : index
    %get3A_40 = vector.load %arg9[%get3A_38, %get3A_39] : memref<1x256xf32, #tpu.memory_space<vmem>>, vector<1x256xf32>
    %add3A_41 = arith.addf %dot_general3A_37, %get3A_40 : vector<1x256xf32>
    %max3A = arith.constant 0.000000e+00 : f32
    %max3A_42 = vector.broadcast %max3A : f32 to vector<1x256xf32>
    %max3A_43 = arith.maximumf %add3A_41, %max3A_42 : vector<1x256xf32>
    %reduce_sum3A = vector.shape_cast %add3A_29 : vector<1x256xf32> to vector<1x1x256xf32>
    %reduce_sum3A_44 = arith.constant dense<0.000000e+00> : vector<1xf32>
    %reduce_sum3A_45 = vector.multi_reduction <add>, %reduce_sum3A, %reduce_sum3A_44 [1, 2] : vector<1x1x256xf32> to vector<1xf32>
    %reduce_sum3A_46 = vector.shape_cast %reduce_sum3A_45 : vector<1xf32> to vector<1x1x1xf32>
    %reduce_sum3A_47 = vector.extract %reduce_sum3A_46[0, 0, 0] : f32 from vector<1x1x1xf32>
    %reduce_sum3A_48 = vector.shape_cast %max3A_43 : vector<1x256xf32> to vector<1x1x256xf32>
    %reduce_sum3A_49 = arith.constant dense<0.000000e+00> : vector<1xf32>
    %reduce_sum3A_50 = vector.multi_reduction <add>, %reduce_sum3A_48, %reduce_sum3A_49 [1, 2] : vector<1x1x256xf32> to vector<1xf32>
    %reduce_sum3A_51 = vector.shape_cast %reduce_sum3A_50 : vector<1xf32> to vector<1x1x1xf32>
    %reduce_sum3A_52 = vector.extract %reduce_sum3A_51[0, 0, 0] : f32 from vector<1x1x1xf32>
    %add3A_53 = arith.addf %reduce_sum3A_47, %reduce_sum3A_52 : f32
    %div3A = arith.constant 5.120000e+02 : f32
    %div3A_54 = arith.divf %add3A_53, %div3A : f32
    %sub3A = vector.broadcast %div3A_54 : f32 to vector<1x256xf32>
    %sub3A_55 = arith.subf %add3A_29, %sub3A : vector<1x256xf32>
    %integer_pow3A = arith.mulf %sub3A_55, %sub3A_55 : vector<1x256xf32>
    %reduce_sum3A_56 = vector.shape_cast %integer_pow3A : vector<1x256xf32> to vector<1x1x256xf32>
    %reduce_sum3A_57 = arith.constant dense<0.000000e+00> : vector<1xf32>
    %reduce_sum3A_58 = vector.multi_reduction <add>, %reduce_sum3A_56, %reduce_sum3A_57 [1, 2] : vector<1x1x256xf32> to vector<1xf32>
    %reduce_sum3A_59 = vector.shape_cast %reduce_sum3A_58 : vector<1xf32> to vector<1x1x1xf32>
    %reduce_sum3A_60 = vector.extract %reduce_sum3A_59[0, 0, 0] : f32 from vector<1x1x1xf32>
    %sub3A_61 = vector.broadcast %div3A_54 : f32 to vector<1x256xf32>
    %sub3A_62 = arith.subf %max3A_43, %sub3A_61 : vector<1x256xf32>
    %integer_pow3A_63 = arith.mulf %sub3A_62, %sub3A_62 : vector<1x256xf32>
    %reduce_sum3A_64 = vector.shape_cast %integer_pow3A_63 : vector<1x256xf32> to vector<1x1x256xf32>
    %reduce_sum3A_65 = arith.constant dense<0.000000e+00> : vector<1xf32>
    %reduce_sum3A_66 = vector.multi_reduction <add>, %reduce_sum3A_64, %reduce_sum3A_65 [1, 2] : vector<1x1x256xf32> to vector<1xf32>
    %reduce_sum3A_67 = vector.shape_cast %reduce_sum3A_66 : vector<1xf32> to vector<1x1x1xf32>
    %reduce_sum3A_68 = vector.extract %reduce_sum3A_67[0, 0, 0] : f32 from vector<1x1x1xf32>
    %add3A_69 = arith.addf %reduce_sum3A_60, %reduce_sum3A_68 : f32
    %div3A_70 = arith.constant 5.120000e+02 : f32
    %div3A_71 = arith.divf %add3A_69, %div3A_70 : f32
    %add3A_72 = arith.constant 9.99999974E-6 : f32
    %add3A_73 = arith.addf %div3A_71, %add3A_72 : f32
    %rsqrt3A = math.rsqrt %add3A_73 : f32
    %sub3A_74 = vector.broadcast %div3A_54 : f32 to vector<1x256xf32>
    %sub3A_75 = arith.subf %add3A_29, %sub3A_74 : vector<1x256xf32>
    %mul3A_76 = vector.broadcast %rsqrt3A : f32 to vector<1x256xf32>
    %mul3A_77 = arith.mulf %sub3A_75, %mul3A_76 : vector<1x256xf32>
    %get3A_78 = arith.constant 0 : index
    %get3A_79 = arith.constant 0 : index
    %get3A_80 = vector.load %arg10[%get3A_78, %get3A_79] : memref<1x512xf32, #tpu.memory_space<vmem>>, vector<1x256xf32>
    %mul3A_81 = arith.mulf %mul3A_77, %get3A_80 : vector<1x256xf32>
    %get3A_82 = arith.constant 0 : index
    %get3A_83 = arith.constant 0 : index
    %get3A_84 = vector.load %arg11[%get3A_82, %get3A_83] : memref<1x512xf32, #tpu.memory_space<vmem>>, vector<1x256xf32>
    %add3A_85 = arith.addf %mul3A_81, %get3A_84 : vector<1x256xf32>
    %sub3A_86 = vector.broadcast %div3A_54 : f32 to vector<1x256xf32>
    %sub3A_87 = arith.subf %max3A_43, %sub3A_86 : vector<1x256xf32>
    %mul3A_88 = vector.broadcast %rsqrt3A : f32 to vector<1x256xf32>
    %mul3A_89 = arith.mulf %sub3A_87, %mul3A_88 : vector<1x256xf32>
    %get3A_90 = arith.constant 0 : index
    %get3A_91 = arith.constant 256 : index
    %get3A_92 = vector.load %arg10[%get3A_90, %get3A_91] : memref<1x512xf32, #tpu.memory_space<vmem>>, vector<1x256xf32>
    %mul3A_93 = arith.mulf %mul3A_89, %get3A_92 : vector<1x256xf32>
    %get3A_94 = arith.constant 0 : index
    %get3A_95 = arith.constant 256 : index
    %get3A_96 = vector.load %arg11[%get3A_94, %get3A_95] : memref<1x512xf32, #tpu.memory_space<vmem>>, vector<1x256xf32>
    %add3A_97 = arith.addf %mul3A_93, %get3A_96 : vector<1x256xf32>
    %get3A_98 = arith.constant 0 : index
    %get3A_99 = arith.constant 0 : index
    %get3A_100 = vector.load %arg12[%get3A_98, %get3A_99] : memref<256x512xf32, #tpu.memory_space<vmem>>, vector<256x256xf32>
    %dot_general3A_101 = arith.constant dense<0.000000e+00> : vector<1x256xf32>
    %dot_general3A_102 = tpu.matmul %add3A_85, %get3A_100, %dot_general3A_101 {dimension_numbers = #tpu.dot_dimension_numbers<[1], [1], [0], [0], [0, 0, 1, 0], [], []>, transpose_lhs_hint = false} : vector<1x256xf32>, vector<256x256xf32>, vector<1x256xf32> -> vector<1x256xf32>
    %get3A_103 = arith.constant 0 : index
    %get3A_104 = arith.constant 256 : index
    %get3A_105 = vector.load %arg12[%get3A_103, %get3A_104] : memref<256x512xf32, #tpu.memory_space<vmem>>, vector<256x256xf32>
    %dot_general3A_106 = arith.constant dense<0.000000e+00> : vector<1x256xf32>
    %dot_general3A_107 = tpu.matmul %add3A_97, %get3A_105, %dot_general3A_106 {dimension_numbers = #tpu.dot_dimension_numbers<[1], [1], [0], [0], [0, 0, 1, 0], [], []>, transpose_lhs_hint = false} : vector<1x256xf32>, vector<256x256xf32>, vector<1x256xf32> -> vector<1x256xf32>
    %add3A_108 = arith.addf %dot_general3A_102, %dot_general3A_107 : vector<1x256xf32>
    %get3A_109 = arith.constant 0 : index
    %get3A_110 = arith.constant 0 : index
    %get3A_111 = vector.load %arg13[%get3A_109, %get3A_110] : memref<1x256xf32, #tpu.memory_space<vmem>>, vector<1x256xf32>
    %add3A_112 = arith.addf %add3A_108, %get3A_111 : vector<1x256xf32>
    %max3A_113 = arith.constant 0.000000e+00 : f32
    %max3A_114 = vector.broadcast %max3A_113 : f32 to vector<1x256xf32>
    %max3A_115 = arith.maximumf %add3A_112, %max3A_114 : vector<1x256xf32>
    %get3A_116 = arith.constant 0 : index
    %get3A_117 = arith.constant 0 : index
    %get3A_118 = vector.load %arg14[%get3A_116, %get3A_117] : memref<256x10xf32, #tpu.memory_space<vmem>>, vector<256x10xf32>
    %dot_general3A_119 = arith.constant dense<0.000000e+00> : vector<1x10xf32>
    %dot_general3A_120 = tpu.matmul %max3A_115, %get3A_118, %dot_general3A_119 {dimension_numbers = #tpu.dot_dimension_numbers<[1], [0], [0], [1], [0, 0, 1, 1], [], []>, transpose_lhs_hint = false} : vector<1x256xf32>, vector<256x10xf32>, vector<1x10xf32> -> vector<1x10xf32>
    %get3A_121 = arith.constant 0 : index
    %get3A_122 = arith.constant 0 : index
    %get3A_123 = vector.load %arg15[%get3A_121, %get3A_122] : memref<1x10xf32, #tpu.memory_space<vmem>>, vector<1x10xf32>
    %add3A_124 = arith.addf %dot_general3A_120, %get3A_123 : vector<1x10xf32>
    %swap3A = arith.constant 0 : index
    %swap3A_125 = arith.constant 0 : index
    %swap3A_126 = vector.load %arg18[%swap3A, %swap3A_125] : memref<1x10xf32, #tpu.memory_space<vmem>>, vector<1x10xf32>
    tpu.vector_store %arg18[%swap3A, %swap3A_125], %add3A_124 {strides = array<i32>} : memref<1x10xf32, #tpu.memory_space<vmem>>, vector<1x10xf32>,
    %get3A_127 = arith.constant 0 : index
    %get3A_128 = arith.constant 0 : index
    %get3A_129 = vector.load %arg16[%get3A_127, %get3A_128] : memref<256x1xf32, #tpu.memory_space<vmem>>, vector<256x1xf32>
    %dot_general3A_130 = arith.constant dense<0.000000e+00> : vector<1x1xf32>
    %dot_general3A_131 = tpu.matmul %max3A_115, %get3A_129, %dot_general3A_130 {dimension_numbers = #tpu.dot_dimension_numbers<[1], [0], [0], [1], [0, 0, 1, 1], [], []>, transpose_lhs_hint = false} : vector<1x256xf32>, vector<256x1xf32>, vector<1x1xf32> -> vector<1x1xf32>
    %get3A_132 = arith.constant 0 : index
    %get3A_133 = arith.constant 0 : index
    %get3A_134 = vector.load %arg17[%get3A_132, %get3A_133] : memref<1x1xf32, #tpu.memory_space<vmem>>, vector<1x1xf32>
    %add3A_135 = arith.addf %dot_general3A_131, %get3A_134 : vector<1x1xf32>
    %swap3A_136 = arith.constant 0 : index
    %swap3A_137 = arith.constant 0 : index
    %swap3A_138 = vector.load %arg19[%swap3A_136, %swap3A_137] : memref<1x1xf32, #tpu.memory_space<vmem>>, vector<1x1xf32>
    tpu.vector_store %arg19[%swap3A_136, %swap3A_137], %add3A_135 {strides = array<i32>} : memref<1x1xf32, #tpu.memory_space<vmem>>, vector<1x1xf32>,
    return
  }
}

</mosaic_0001>

<sc_bundles>
// kernel: kernel.5.cloned.1.call-start
scs
__scs_entry_jumppad:
0x0: {  	(pc) =	sbr.rel $0x88, $3  }
0x1: {  	(tag) =	ssettag $0x0;
	lr =	simm.s32 $0x1  }
0x2: {  	[smem:$0x3F8C] =	sst lr;
	_ =	strace $0xD0000000  }
0x3: {  	_ = 	snop  }
0x4: {  	_ = 	snop  }
0x5: {  	_ = 	snop  }
0x6: {  	_ = 	snop  }
0x7: {  	_ = 	snop  }
__scs_overlays_trampoline_lowered:
0x8: {  	[smem:$0x3F9B] =	sst s0  }
0x9: {  	[smem:$0x3F9C] =	sst s1  }
0xa: {  	[smem:$0x3F9D] =	sst s2  }
0xb: {  	[smem:$0x3F9E] =	sst s3  }
0xc: {  	[smem:$0x3F9F] =	sst s4  }
0xd: {  	[smem:$0x3FA0] =	sst s5  }
0xe: {  	[smem:$0x3FA1] =	sst s6  }
0xf: {  	[smem:$0x3FA2] =	sst s7  }
0x10: {  	[smem:$0x3FA3] =	sst s8  }
0x11: {  	[smem:$0x3FA4] =	sst s9;
	s0 =	simm.s32 @!p0 $0x0  }
0x12: {  	s1 =	sld [smem:$0x3F8A];
	s0 =	simm.s32 @p0 $0x1  }
0x13: {  	[smem:$0x3FA5] =	sst s0;
	s0 =	simm.s32 @!p1 $0x0  }
0x14: {  	s2 =	sld [smem:$0x3F89];
	s0 =	simm.s32 @p1 $0x1  }
0x15: {  	[smem:$0x3FA6] =	sst s0;
	s0 =	simm.s32 @!p2 $0x0  }
0x16: {  	s3 =	sld [smem:$0x3FDB];
	s0 =	simm.s32 @p2 $0x1  }
0x17: {  	s4 =	simm.s32 $0x1BF5;
	[smem:$0x3FA8] =	sst s0  }
0x18: {  	s0 =	sld [smem:$0x3F8B];
	_ =	swait.ge [sflag:s4], $0x0  }
0x19: {  	s7 =	sld [smem:$0x3F8C]  }
0x1a: {  	s8 =	sadd.s32 $0xFFFFE003, lr  }
0x1b: {  	s9 =	sadd.s32 $0xFFFFFEF7, lr;
	s5 =	simm.s32 $0xFFFFFFFF;
	p2 =	slt.u32 s8, $0xFFFFF086  }
0x1c: {  	p1 =	slt.u32 s9, $0xF7A;
	s5 =	simm.s32 @!p2 $0x0  }
0x1d: {  	s5 =	simm.s32 @p1 $0x1;
	p0 =	seq.s32 s7, s2  }
0x1e: {  	s7 =	smul.u32 @!p0 $0xF7A, s2;
	p2 =	seq.s32 @!p0 s5, $0x0  }
0x1f: {  	s9 =	smul.u32 $0xF7A, s1;
	s8 =	simm.s32 @!p0 $0x1BF5;
	p2 =	por !p2, p0  }
0x20: {  	[sflag:s8] =	ssyncset.s32 @!p0 $0xFFFFF086;
	s6 =	sadd.s32 @!p0 s3, s7;
	s7 =	simm.s32 @!p0 $0x108  }
0x21: {  	s3 =	sadd.s32 s3, s9;
	s6 =	sadd.s32 @!p0 $0x88, s6;
	s7 =	simm.s32 @p2 $0x1082  }
0x22: {  	[simem:s7], [sflag:s8] =	dma.local @!p0 [hbm:s6], $0xF7A  }
0x23: {  	s9 =	sor.u32 $0xD0000000, s2;
	s6 =	simm.s32 $0x108;
	_ =	swait.ge @!p0 [sflag:s8], $0x0  }
0x24: {  	s3 =	sadd.s32 $0x88, s3;
	s6 =	simm.s32 @!p1 $0x1082;
	[sflag:s4] =	ssyncset.s32 $0xFFFFF086  }
0x25: {  	[simem:s6], [sflag:s4] =	dma.local [hbm:s3], $0xF7A  }
0x26: {  	[smem:$0x3F8C] =	sst s1;
	(tag) =	ssettag s2;
	_ =	strace s9  }
0x27: {  	s1 =	sld [smem:$0x3F9C]  }
0x28: {  	s2 =	sld [smem:$0x3F9D]  }
0x29: {  	s4 =	sld [smem:$0x3F9F]  }
0x2a: {  	p0 =	seq.s32 s5, $0x0;
	s5 =	sld [smem:$0x3FA0]  }
0x2b: {  	s6 =	sld [smem:$0x3FA1]  }
0x2c: {  	s7 =	sld [smem:$0x3FA2]  }
0x2d: {  	s3 =	simm.s32 $0x108;
	s8 =	sld [smem:$0x3FA3]  }
0x2e: {  	s3 =	simm.s32 @!p0 $0x1082;
	s9 =	sld [smem:$0x3FA4]  }
0x2f: {  	lr =	sadd.s32 s0, s3;
	s0 =	sld [smem:$0x3F9B]  }
0x30: {  	s3 =	sld [smem:$0x3F9E]  }
0x31: {  	[smem:$0x3FA7] =	sst s10  }
0x32: {  	s10 =	sld [smem:$0x3FA5];
	_ =	sdelay $0x3  }
0x33: {  	p0 =	seq.s32 s10, $0x1;
	s10 =	sld [smem:$0x3FA7];
	_ =	sdelay $0x3  }
0x34: {  	[smem:$0x3FA7] =	sst s10  }
0x35: {  	s10 =	sld [smem:$0x3FA6];
	_ =	sdelay $0x3  }
0x36: {  	p1 =	seq.s32 s10, $0x1;
	s10 =	sld [smem:$0x3FA7];
	_ =	sdelay $0x3  }
0x37: {  	[smem:$0x3FA7] =	sst s10  }
0x38: {  	s10 =	sld [smem:$0x3FA8]  }
0x39: {  	_ = 	snop;
	(pc) =	sbr.ind lr, $3  }
0x3a: {  	_ = 	snop  }
0x3b: {  	_ = 	snop  }
0x3c: {  	p2 =	seq.s32 s10, $0x1;
	s10 =	sld [smem:$0x3FA7]  }
0x3d: {  	_ =	shalt  }
0x3e: {  	_ =	shalt  }
0x3f: {  	_ =	shalt  }
0x40: {  	_ =	shalt  }
0x41: {  	_ =	shalt  }
0x42: {  	_ =	shalt  }
0x43: {  	_ =	shalt  }
0x44: {  	_ =	shalt  }
0x45: {  	_ =	shalt  }
0x46: {  	_ =	shalt  }
0x47: {  	_ =	shalt  }
0x48: {  	_ =	shalt  }
0x49: {  	_ =	shalt  }
0x4a: {  	_ =	shalt  }
0x4b: {  	_ =	shalt  }
0x4c: {  	_ =	shalt  }
0x4d: {  	_ =	shalt  }
0x4e: {  	_ =	shalt  }
0x4f: {  	_ =	shalt  }
0x50: {  	_ =	shalt  }
0x51: {  	_ =	shalt  }
0x52: {  	_ =	shalt  }
0x53: {  	_ =	shalt  }
0x54: {  	_ =	shalt  }
0x55: {  	_ =	shalt  }
0x56: {  	_ =	shalt  }
0x57: {  	_ =	shalt  }
0x58: {  	_ =	shalt  }
0x59: {  	_ =	shalt  }
0x5a: {  	_ =	shalt  }
0x5b: {  	_ =	shalt  }
0x5c: {  	_ =	shalt  }
0x5d: {  	_ =	shalt  }
0x5e: {  	_ =	shalt  }
0x5f: {  	_ =	shalt  }
0x60: {  	_ =	shalt  }
0x61: {  	_ =	shalt  }
0x62: {  	_ =	shalt  }
0x63: {  	_ =	shalt  }
0x64: {  	_ =	shalt  }
0x65: {  	_ =	shalt  }
0x66: {  	_ =	shalt  }
0x67: {  	_ =	shalt  }
0x68: {  	_ =	shalt  }
0x69: {  	_ =	shalt  }
0x6a: {  	_ =	shalt  }
0x6b: {  	_ =	shalt  }
0x6c: {  	_ =	shalt  }
0x6d: {  	_ =	shalt  }
0x6e: {  	_ =	shalt  }
0x6f: {  	_ =	shalt  }
0x70: {  	_ =	shalt  }
0x71: {  	_ =	shalt  }
0x72: {  	_ =	shalt  }
0x73: {  	_ =	shalt  }
0x74: {  	_ =	shalt  }
0x75: {  	_ =	shalt  }
0x76: {  	_ =	shalt  }
0x77: {  	_ =	shalt  }
0x78: {  	_ =	shalt  }
0x79: {  	_ =	shalt  }
0x7a: {  	_ =	shalt  }
0x7b: {  	_ =	shalt  }
0x7c: {  	_ =	shalt  }
0x7d: {  	_ =	shalt  }
0x7e: {  	_ =	shalt  }
0x7f: {  	_ =	shalt  }
0x80: {  	_ =	shalt  }
0x81: {  	_ =	shalt  }
0x82: {  	_ =	shalt  }
0x83: {  	_ =	shalt  }
0x84: {  	_ =	shalt  }
0x85: {  	_ =	shalt  }
0x86: {  	_ =	shalt  }
0x87: {  	_ =	shalt  }
.Lfunc_end0:
.L_simem_size_0:
called_computation_lowered:
.L_overlay_start_0:
0x88: {  	s2 =	sld [smem:$0x3FD9]  }
0x89: {  	s3 =	sld [smem:$0x3FFE];
	_ =	sdelay $0x1  }
0x8a: {  	s1 =	srdreg.scid  }
0x8b: {  	s0 =	sand.u32 $0x1, s1  }
0x8c: {  	s16 =	sshll.u32 s0, $0xA;
	s2 =	sadd.s32 s3, s2  }
0x8d: {  	s2 =	sadd.s32 s2, s16  }
0x8e: {  	[smem:$0x3FB3] =	sst s2  }
0x8f: {  	_ = 	snop  }
0x90: {  	(tm) =	ssettm $0x1  }
0x91: {  	s17 =	sld [smem:$0x3FFB];
	_ =	sdelay $0x3  }
0x92: {  	_ =	strace s17  }
0x93: {  	s2 =	sld [smem:$0x3FFC];
	_ =	sdelay $0x3  }
0x94: {  	_ =	strace s2  }
0x95: {  	s2 =	sld [smem:$0x3FFD];
	_ =	sdelay $0x3  }
0x96: {  	_ =	strace s2  }
0x97: {  	_ =	strace $0x8FFFFFFF  }
0x98: {  	s18 =	sld [smem:$0x3FDB];
	_ =	sdelay $0x1  }
0x99: {  	s19 =	simm.s32 $_scs_section_size  }
0x9a: {  	s4 =	simm.s32 $_size__tile_overlayer_lowered;
	s5 =	simm.s32 $_tile_overlayer_lowered  }
0x9b: {  	s22 =	simm.s32 $0x1BFF;
	s21 =	sshll.u32 s5, $0x1;
	s2 =	sadd.s32 s19, s18  }
0x9c: {  	s6 =	simm.s32 $0x0;
	s20 =	sshll.u32 s4, $0x1;
	s4 =	sadd.s32 s21, s2  }
0x9d: {  	[timem:s6], [sflag:s22] =	dma.local [hbm:s4], s20  }
0x9e: {  	_ =	swait.ge [sflag:s22], s20  }
0x9f: {  	s3 =	ssub.s32 $0x0, s20;
	[sflag:s22] =	ssyncset.done $0x0  }
0xa0: {  	[sflag:s22] =	ssyncadd.s32 s3;
	_ =	sdelay $0x1  }
0xa1: {  	s23 =	simm.s32 $0x1B8B  }
0xa2: {  	_ =	swait.ge [sflag:s23], $0x1  }
0xa3: {  	[sflag:s23] =	ssyncset.done $0x0  }
0xa4: {  	s25 =	simm.s32 $0x1B8E;
	s24 =	sld [smem:$0x3FFE];
	[sflag:s23] =	ssyncadd.s32 $0xFFFFFFFF  }
0xa5: {  	s26 =	simm.s32 $execute0_lowered;
	[smem:$0x3FD2] =	sst s25  }
0xa6: {  	s4 =	sshll.u32 s26, $0x1;
	_ =	strace $0x80000046;
	[dreg:$0x1] =	wrdreg $0xFFFFFFFF  }
0xa7: {  	s28 =	simm.s32 $_size_execute0_lowered;
	s2 =	sadd.s32 s2, s4;
	[dreg:$0x0] =	wrdreg $0x0  }
0xa8: {  	s4 =	sshll.u32 s28, $0x1;
	[dreg:$0x2] =	wrdreg s2  }
0xa9: {  	[dreg:$0x3] =	wrdreg s4  }
0xaa: {  	[dreg:$0x4] =	wrdreg $0xC0  }
0xab: {  	_ =	task [dreg:s6], $0x5FFFF  }
0xac: {  	[dreg:$0x1] =	wrdreg $0xFFFFFFFF  }
0xad: {  	[dreg:$0x0] =	wrdreg $0x60  }
0xae: {  	[dreg:$0x2] =	wrdreg s24  }
0xaf: {  	[dreg:$0x3] =	wrdreg $0xF0800  }
0xb0: {  	[dreg:$0x4] =	wrdreg $0x118800  }
0xb1: {  	[dreg:$0x5] =	wrdreg $0x9  }
0xb2: {  	_ =	task.clear_ibuf [dreg:s6], $0x6FFFF;
	_ =	strace $0x90000046  }
0xb3: {  	s29 =	simm.s32 $0x9;
	_ =	strace $0x80000048  }
0xb4: {  	_ =	swait.ge [sflag:s29], $0x1  }
0xb5: {  	[sflag:s29] =	ssyncadd.s32 $0xFFFFFFFF  }
0xb6: {  	_ =	strace $0x90000048  }
0xb7: {  	_ =	sfence  }
0xb8: {  	s30 =	sld [smem:$0x0];
	_ =	sdelay $0x2  }
0xb9: {  	s31 =	sshll.u32 s1, $0xD;
	s1 =	sshrl.u32 s1, $0x2  }
0xba: {  	s3 =	sand.u32 $0x4000, s31;
	s1 =	sadd.s32 s1, s30  }
0xbb: {  	s0 =	sor.u32 s3, s0;
	s1 =	sshll.u32 s1, $0x11  }
0xbc: {  	s0 =	sor.u32 s1, s0  }
0xbd: {  	s0 =	sadd.s32 $0x8F2B, s0  }
0xbe: {  	[sflag:s0] =	ssyncadd.remote.s32 $0x1  }
0xbf: {  	_ =	sfence.sel $0xFFFF  }
0xc0: {  	[dreg:$0x0] =	wrdreg $0xFFFFFFFF;
	(pc) =	sbr.abs _section_cstart, $3  }
0xc1: {  	[dreg:$0x1] =	wrdreg $0xFFFFFFFF  }
0xc2: {  	_ =	task.clear_ibuf [dreg:s6], $0x2FFFF;
	_ =	strace $0x9FFFFFFF  }
0xc3: {  	(tm) =	ssettm $0x7FFFFFFF  }
tec
execute0_lowered:
.L_overlay_start_1:
0x0: {  	(tag) =	ssettag $0x1  }
0x1: {  	s0 =	rddreg [dreg:$0x0]  }
0x2: {  	s8 =	rddreg [dreg:$0x1]  }
0x3: {  	s1 =	rddreg [dreg:$0x2];
	s3 =	simm.s32 $0x0  }
0x4: {  	s2 =	stileid.u32;
	s5 =	srdreg.scid;
	s17 =	simm.s32 $0x7600  }
0x5: {  	s18 =	simm.s32 $0x80;
	s19 =	simm.s32 $0x400;
	s20 =	simm.s32 $0x1400  }
0x6: {  	s21 =	simm.s32 $0x14000;
	s22 =	simm.s32 $0xC600;
	s9 =	smul.u32 $0x280, s2  }
0x7: {  	[smem:$0x7FF] =	sst s3;
	s11 =	sadd.s32 $0x3A00, s0;
	s10 =	smul.u32 $0x4E20, s2  }
0x8: {  	s4 =	sadd.s32 $0x17400, s0;
	s7 =	sshrl.u32 s2, $0x3;
	s28 =	smul.u32 $0x5000, s2  }
0x9: {  	s23 =	sand.u32 $0x1, s5;
	s26 =	sshll.u32 s2, $0x7;
	s7 =	smul.u32 $0x50000, s7  }
0xa: {  	_ =	strace $0x80000047;
	s6 =	ssub.s32 $0x2, s23;
	s5 =	smul.u32 $0x2710, s23  }
0xb: {  	s14 =	sand.u32 $0x380, s26;
	p0 =	seq.s32 s23, $0x0;
	s30 =	smul.u32 $0x9C40, s23  }
0xc: {  	s16 =	sshll.u32 s23, $0x6;
	s26 =	simm.s32 $0x0;
	s24 =	sshrl.u32 s9, $0x3  }
0xd: {  	s12 =	sshrl.u32 s6, $0x1;
	s13 =	sshrl.u32 s10, $0x3;
	s9 =	sadd.s32 s9, s1  }
0xe: {  	s0 =	sadd.s32 s24, s0;
	s12 =	ssub.s32 s6, s12;
	s25 =	sadd.s32 s11, s13  }
0xf: {  	s7 =	sshrl.u32 s7, $0x2;
	s13 =	sshrl.u32 s28, $0x2;
	s10 =	sadd.s32 s5, s10  }
0x10: {  	s15 =	sand.u32 $0xFE00, s30;
	s31 =	sshrl.u32 s30, $0x2;
	s24 =	simm.s32 $0x9E00  }
0x11: {  	s7 =	sadd.s32 s7, s8;
	s6 =	sadd.s32 $0x9C40, s25;
	s8 =	sadd.s32 s13, s8  }
0x12: {  	s29 =	sshrl.u32 s10, $0x3;
	s10 =	sadd.s32 $0x17A00, s0;
	s12 =	smax.u32 s12, $0x1  }
0x13: {  	s13 =	simm.s32 $0x18000;
	s15 =	sor.u32 s16, s15;
	s16 =	simm.s32 $0x1  }
0x14: {  	s25 =	simm.s32 $0x4E80;
	s7 =	sadd.s32 s14, s7;
	s11 =	sadd.s32 s11, s29  }
0x15: {  	s13 =	simm.s32 @!p0 $0x18600;
	s14 =	sshrl.u32 s15, $0x2;
	s15 =	sadd.s32 $0x40, s31  }
0x16: {  	v0 =	vimm.f32 $1.000000000e+00;
	p0 =	sne.s32 s23, $0x0;
	s23 =	simm.s32 $0xEE00;
	s13 =	sadd.s32 s13, s0  }
.LBB2_1:
0x17: {  	[tilespmem:s3], [sflag:$0x1] =	stream.linear.gather [hbm4b:s6+s3], $0x4E20, $0x38;
	[tilespmem:$0x11B00] =	vst v63  }
0x18: {  	_ =	swait.ge [sflag:s16], $0x4E20  }
0x19: {  	[sflag:s16] =	ssyncset.done $0x0  }
0x1a: {  	[sflag:s16] =	ssyncadd.s32 $0xFFFFB1E0  }
0x1b: {  	[tilespmem:s17], [sflag:$0x1] =	stream.linear.gather [hbm4b:s4+s3], $0x2800, $0x38;
	[tilespmem:$0x11B00] =	vst v63  }
0x1c: {  	_ =	swait.ge [sflag:s16], $0x2800  }
0x1d: {  	[sflag:s16] =	ssyncset.done $0x0  }
0x1e: {  	s28 =	simm.s32 $0xFFFFFFF8;
	s29 =	simm.s32 $0x40;
	[sflag:s16] =	ssyncadd.s32 $0xFFFFD800  }
.LBB2_2:
0x1f: {  	v1 =	vld [tilespmem:s29+$0xFFFFFFC0];
	_ =	sdelay $0x7  }
0x20: {  	[tilespmem:v1+s17+$0x0] =	vst.idx.add.f32.msk $0xffff, v0  }
0x21: {  	v1 =	vld [tilespmem:s29+$0xFFFFFFD0];
	_ =	sdelay $0x7  }
0x22: {  	[tilespmem:v1+s17+$0x0] =	vst.idx.add.f32.msk $0xffff, v0  }
0x23: {  	v1 =	vld [tilespmem:s29+$0xFFFFFFE0];
	_ =	sdelay $0x7  }
0x24: {  	[tilespmem:v1+s17+$0x0] =	vst.idx.add.f32.msk $0xffff, v0  }
0x25: {  	v1 =	vld [tilespmem:s29+$0xFFFFFFF0];
	_ =	sdelay $0x7  }
0x26: {  	[tilespmem:v1+s17+$0x0] =	vst.idx.add.f32.msk $0xffff, v0  }
0x27: {  	v1 =	vld [tilespmem:s29+$0x0];
	_ =	sdelay $0x7  }
0x28: {  	[tilespmem:v1+s17+$0x0] =	vst.idx.add.f32.msk $0xffff, v0  }
0x29: {  	v1 =	vld [tilespmem:s29+$0x10];
	_ =	sdelay $0x7  }
0x2a: {  	[tilespmem:v1+s17+$0x0] =	vst.idx.add.f32.msk $0xffff, v0  }
0x2b: {  	v1 =	vld [tilespmem:s29+$0x20];
	_ =	sdelay $0x7  }
0x2c: {  	[tilespmem:v1+s17+$0x0] =	vst.idx.add.f32.msk $0xffff, v0  }
0x2d: {  	v1 =	vld [tilespmem:s29+$0x30];
	_ =	sdelay $0x1  }
0x2e: {  	s28 =	sadd.s32 $0x8, s28  }
0x2f: {  	p1 =	slt.u32 s28, $0x4D8  }
.Ltmp0:
0x30: {  	_ = 	snop;
	(pc) =	sbr.rel @p1 .LBB2_2-.Ltmp0, $2  }
0x31: {  	_ =	sdelay $0x2  }
0x32: {  	s29 =	sadd.s32 $0x80, s29;
	[tilespmem:v1+s17+$0x0] =	vst.idx.add.f32.msk $0xffff, v0  }
0x33: {  	v1 =	vld [tilespmem:$0x4E00];
	_ =	sdelay $0x7  }
0x34: {  	[tilespmem:v1+s17+$0x0] =	vst.idx.add.f32.msk $0xffff, v0  }
0x35: {  	v1 =	vld [tilespmem:$0x4E10];
	_ =	sdelay $0x7  }
0x36: {  	[tilespmem:v1+s17+$0x0] =	vst.idx.add.f32.msk $0xffff, v0  }
0x37: {  	[spmem:s7] =	stream.strided.scatter [tilespmem:s17], [sflag:$0x1], $0x2800, s19, s18, $0x38;
	[tilespmem:$0x11B00] =	vst v63  }
0x38: {  	_ =	swait.ge [sflag:s16], $0x2800  }
0x39: {  	[sflag:s16] =	ssyncset.done $0x0  }
0x3a: {  	[sflag:s16] =	ssyncadd.s32 $0xFFFFD800  }
0x3b: {  	[bflag:$0x0] =	sbarrier.arrive $0xFFFF  }
0x3c: {  	[tilespmem:s22], [sflag:$0x1] =	stream.strided.gather [spmem:s8], $0x2800, s21, s20, $0x38;
	[tilespmem:$0x11B00] =	vst v63  }
0x3d: {  	s0 =	simm.s32 $0x0;
	_ =	swait.ge [sflag:s16], $0x2800  }
0x3e: {  	s28 =	sand.u32 $0x70, s0;
	s0 =	sand.u32 $0x1C00, s0;
	[sflag:s16] =	ssyncset.done $0x0  }
0x3f: {  	s0 =	sor.u32 s28, s0;
	[sflag:s16] =	ssyncadd.s32 $0xFFFFD800  }
0x40: {  	v1 =	vld [tilespmem:s0+$0xC600];
	_ =	sdelay $0x1  }
0x41: {  	v2 =	vld [tilespmem:s0+$0xC680];
	_ =	sdelay $0x1  }
0x42: {  	v3 =	vld [tilespmem:s0+$0xC700]  }
0x43: {  	v1 =	vadd.f32 $1.000000000e+00, v1  }
0x44: {  	v4 =	vld [tilespmem:s0+$0xC780]  }
0x45: {  	v1 =	vadd.f32 v2, v1  }
0x46: {  	v2 =	vld [tilespmem:s0+$0xC800]  }
0x47: {  	v1 =	vadd.f32 v3, v1  }
0x48: {  	v3 =	vld [tilespmem:s0+$0xC880]  }
0x49: {  	v1 =	vadd.f32 v4, v1  }
0x4a: {  	v60 =	vld [tilespmem:s0+$0xC900]  }
0x4b: {  	v1 =	vadd.f32 v2, v1  }
0x4c: {  	v2 =	vld [tilespmem:s0+$0xC980]  }
0x4d: {  	v1 =	vadd.f32 v3, v1  }
0x4e: {  	v3 =	vld [tilespmem:s0+$0xDA00]  }
0x4f: {  	v1 =	vadd.f32 v60, v1  }
0x50: {  	v61 =	vld [tilespmem:s0+$0xDA80]  }
0x51: {  	v1 =	vadd.f32 v2, v1  }
0x52: {  	v2 =	vld [tilespmem:s0+$0xDB00]  }
0x53: {  	v1 =	vadd.f32 v3, v1  }
0x54: {  	v3 =	vld [tilespmem:s0+$0xDB80]  }
0x55: {  	v1 =	vadd.f32 v61, v1  }
0x56: {  	v62 =	vld [tilespmem:s0+$0xDC00]  }
0x57: {  	v1 =	vadd.f32 v2, v1  }
0x58: {  	v2 =	vld [tilespmem:s0+$0xDC80]  }
0x59: {  	v1 =	vadd.f32 v3, v1  }
0x5a: {  	v3 =	vld [tilespmem:s0+$0xDD00]  }
0x5b: {  	v1 =	vadd.f32 v62, v1  }
0x5c: {  	v63 =	vld [tilespmem:s0+$0xDD80]  }
0x5d: {  	v1 =	vadd.f32 v2, v1;
	_ =	sdelay $0x1  }
0x5e: {  	v1 =	vadd.f32 v3, v1;
	_ =	sdelay $0x1  }
0x5f: {  	v1 =	vadd.f32 v63, v1;
	_ =	sdelay $0x1  }
0x60: {  	v2 =	vshrl.u32 v1, $0x1;
	v1 =	vmul.f32 $5.000000000e-01, v1  }
0x61: {  	v2 =	vsub.s32 $0x5F3759DF, v2  }
0x62: {  	v3 =	vmul.f32 v2, v1;
	_ =	sdelay $0x1  }
0x63: {  	v3 =	vmul.f32 v2, v3;
	_ =	sdelay $0x1  }
0x64: {  	v3 =	vsub.f32 $1.500000000e+00, v3;
	_ =	sdelay $0x1  }
0x65: {  	v2 =	vmul.f32 v2, v3;
	_ =	sdelay $0x1  }
0x66: {  	v3 =	vmul.f32 v2, v1;
	_ =	sdelay $0x1  }
0x67: {  	v3 =	vmul.f32 v3, v2;
	_ =	sdelay $0x1  }
0x68: {  	v3 =	vsub.f32 $1.500000000e+00, v3;
	_ =	sdelay $0x1  }
0x69: {  	v2 =	vmul.f32 v3, v2;
	_ =	sdelay $0x1  }
0x6a: {  	v1 =	vmul.f32 v2, v1;
	_ =	sdelay $0x1  }
0x6b: {  	v1 =	vmul.f32 v1, v2;
	_ =	sdelay $0x1  }
0x6c: {  	v1 =	vsub.f32 $1.500000000e+00, v1;
	_ =	sdelay $0x1  }
0x6d: {  	s29 =	simm.s32 $0x80;
	s30 =	simm.s32 $0x20;
	s0 =	simm.s32 $0x10;
	v1 =	vmul.f32 v1, v2  }
0x6e: {  	s28 =	simm.s32 $0xEE00;
	s31 =	sand.u32 $0x70, s0;
	s0 =	sand.u32 $0x1C00, s29  }
.LBB2_4:
0x6f: {  	p1 =	sne.s32 s30, $0x270;
	s0 =	sor.u32 s31, s0;
	[tilespmem:s28+$0x0] =	vst v1  }
0x70: {  	v1 =	vld [tilespmem:s0+$0xC600];
	_ =	sdelay $0x1  }
0x71: {  	v2 =	vld [tilespmem:s0+$0xC680];
	_ =	sdelay $0x1  }
0x72: {  	v3 =	vld [tilespmem:s0+$0xC700]  }
0x73: {  	v1 =	vadd.f32 $1.000000000e+00, v1  }
0x74: {  	v4 =	vld [tilespmem:s0+$0xC780]  }
0x75: {  	v1 =	vadd.f32 v2, v1  }
0x76: {  	v2 =	vld [tilespmem:s0+$0xC800]  }
0x77: {  	v1 =	vadd.f32 v3, v1  }
0x78: {  	v3 =	vld [tilespmem:s0+$0xC880]  }
0x79: {  	v1 =	vadd.f32 v4, v1  }
0x7a: {  	v4 =	vld [tilespmem:s0+$0xC900]  }
0x7b: {  	v1 =	vadd.f32 v2, v1  }
0x7c: {  	v2 =	vld [tilespmem:s0+$0xC980]  }
0x7d: {  	v1 =	vadd.f32 v3, v1  }
0x7e: {  	v3 =	vld [tilespmem:s0+$0xDA00]  }
0x7f: {  	v1 =	vadd.f32 v4, v1  }
0x80: {  	v4 =	vld [tilespmem:s0+$0xDA80]  }
0x81: {  	v1 =	vadd.f32 v2, v1  }
0x82: {  	v2 =	vld [tilespmem:s0+$0xDB00]  }
0x83: {  	v1 =	vadd.f32 v3, v1  }
0x84: {  	v3 =	vld [tilespmem:s0+$0xDB80]  }
0x85: {  	v1 =	vadd.f32 v4, v1  }
0x86: {  	v4 =	vld [tilespmem:s0+$0xDC00]  }
0x87: {  	v1 =	vadd.f32 v2, v1  }
0x88: {  	v2 =	vld [tilespmem:s0+$0xDC80]  }
0x89: {  	v1 =	vadd.f32 v3, v1  }
0x8a: {  	v3 =	vld [tilespmem:s0+$0xDD00]  }
0x8b: {  	v1 =	vadd.f32 v4, v1  }
0x8c: {  	v4 =	vld [tilespmem:s0+$0xDD80]  }
0x8d: {  	v1 =	vadd.f32 v2, v1;
	_ =	sdelay $0x1  }
0x8e: {  	v1 =	vadd.f32 v3, v1;
	_ =	sdelay $0x1  }
0x8f: {  	v1 =	vadd.f32 v4, v1;
	_ =	sdelay $0x1  }
0x90: {  	v2 =	vshrl.u32 v1, $0x1;
	v1 =	vmul.f32 $5.000000000e-01, v1  }
0x91: {  	v2 =	vsub.s32 $0x5F3759DF, v2  }
0x92: {  	v3 =	vmul.f32 v2, v1;
	_ =	sdelay $0x1  }
0x93: {  	v3 =	vmul.f32 v2, v3;
	_ =	sdelay $0x1  }
0x94: {  	v3 =	vsub.f32 $1.500000000e+00, v3;
	_ =	sdelay $0x1  }
0x95: {  	v2 =	vmul.f32 v2, v3;
	_ =	sdelay $0x1  }
0x96: {  	v3 =	vmul.f32 v2, v1;
	_ =	sdelay $0x1  }
0x97: {  	v3 =	vmul.f32 v3, v2;
	_ =	sdelay $0x1  }
0x98: {  	v3 =	vsub.f32 $1.500000000e+00, v3;
	_ =	sdelay $0x1  }
0x99: {  	v2 =	vmul.f32 v3, v2;
	_ =	sdelay $0x1  }
0x9a: {  	v1 =	vmul.f32 v2, v1;
	_ =	sdelay $0x1  }
0x9b: {  	v1 =	vmul.f32 v1, v2  }
.Ltmp1:
0x9c: {  	(pc) =	sbr.rel @p1 .LBB2_4-.Ltmp1, $3  }
0x9d: {  	v1 =	vsub.f32 $1.500000000e+00, v1;
	_ =	sdelay $0x1  }
0x9e: {  	s29 =	sadd.s32 $0x80, s29;
	s28 =	sadd.s32 $0x10, s28;
	v1 =	vmul.f32 v1, v2  }
0x9f: {  	s31 =	sand.u32 $0x70, s30;
	s30 =	sadd.s32 $0x10, s30;
	s0 =	sand.u32 $0x1C00, s29  }
0xa0: {  	s0 =	sor.u32 s31, s0;
	[tilespmem:s28+$0x0] =	vst v1  }
0xa1: {  	v1 =	vld [tilespmem:s0+$0xC600];
	_ =	sdelay $0x1  }
0xa2: {  	v2 =	vld [tilespmem:s0+$0xC680];
	_ =	sdelay $0x1  }
0xa3: {  	v3 =	vld [tilespmem:s0+$0xC700]  }
0xa4: {  	v1 =	vadd.f32 $1.000000000e+00, v1  }
0xa5: {  	v4 =	vld [tilespmem:s0+$0xC780]  }
0xa6: {  	v1 =	vadd.f32 v2, v1  }
0xa7: {  	v2 =	vld [tilespmem:s0+$0xC800]  }
0xa8: {  	v1 =	vadd.f32 v3, v1  }
0xa9: {  	v3 =	vld [tilespmem:s0+$0xC880]  }
0xaa: {  	v1 =	vadd.f32 v4, v1  }
0xab: {  	v60 =	vld [tilespmem:s0+$0xC900]  }
0xac: {  	v1 =	vadd.f32 v2, v1  }
0xad: {  	v2 =	vld [tilespmem:s0+$0xC980]  }
0xae: {  	v1 =	vadd.f32 v3, v1  }
0xaf: {  	v3 =	vld [tilespmem:s0+$0xDA00]  }
0xb0: {  	v1 =	vadd.f32 v60, v1  }
0xb1: {  	v61 =	vld [tilespmem:s0+$0xDA80]  }
0xb2: {  	v1 =	vadd.f32 v2, v1  }
0xb3: {  	v2 =	vld [tilespmem:s0+$0xDB00]  }
0xb4: {  	v1 =	vadd.f32 v3, v1  }
0xb5: {  	v3 =	vld [tilespmem:s0+$0xDB80]  }
0xb6: {  	v1 =	vadd.f32 v61, v1  }
0xb7: {  	v62 =	vld [tilespmem:s0+$0xDC00]  }
0xb8: {  	v1 =	vadd.f32 v2, v1  }
0xb9: {  	v2 =	vld [tilespmem:s0+$0xDC80]  }
0xba: {  	v1 =	vadd.f32 v3, v1  }
0xbb: {  	v3 =	vld [tilespmem:s0+$0xDD00]  }
0xbc: {  	v1 =	vadd.f32 v62, v1  }
0xbd: {  	v63 =	vld [tilespmem:s0+$0xDD80]  }
0xbe: {  	v1 =	vadd.f32 v2, v1;
	_ =	sdelay $0x1  }
0xbf: {  	v1 =	vadd.f32 v3, v1;
	_ =	sdelay $0x1  }
0xc0: {  	v1 =	vadd.f32 v63, v1;
	_ =	sdelay $0x1  }
0xc1: {  	v2 =	vshrl.u32 v1, $0x1;
	v1 =	vmul.f32 $5.000000000e-01, v1  }
0xc2: {  	v2 =	vsub.s32 $0x5F3759DF, v2  }
0xc3: {  	v3 =	vmul.f32 v2, v1;
	_ =	sdelay $0x1  }
0xc4: {  	v3 =	vmul.f32 v2, v3;
	_ =	sdelay $0x1  }
0xc5: {  	v3 =	vsub.f32 $1.500000000e+00, v3;
	_ =	sdelay $0x1  }
0xc6: {  	v2 =	vmul.f32 v2, v3;
	_ =	sdelay $0x1  }
0xc7: {  	v3 =	vmul.f32 v2, v1;
	_ =	sdelay $0x1  }
0xc8: {  	v3 =	vmul.f32 v3, v2;
	_ =	sdelay $0x1  }
0xc9: {  	v3 =	vsub.f32 $1.500000000e+00, v3;
	_ =	sdelay $0x1  }
0xca: {  	v2 =	vmul.f32 v3, v2;
	_ =	sdelay $0x1  }
0xcb: {  	v1 =	vmul.f32 v2, v1;
	_ =	sdelay $0x1  }
0xcc: {  	v1 =	vmul.f32 v1, v2;
	_ =	sdelay $0x1  }
0xcd: {  	v1 =	vsub.f32 $1.500000000e+00, v1;
	_ =	sdelay $0x1  }
0xce: {  	v1 =	vmul.f32 v1, v2  }
0xcf: {  	s0 =	sadd.s32 $0x10, s28  }
0xd0: {  	[tilespmem:s0+$0x0] =	vst v1  }
0xd1: {  	[spmem:s9] =	stream.linear.scatter [tilespmem:s23], [sflag:$0x1], $0x280, $0x38;
	[tilespmem:$0x11B00] =	vst v63  }
0xd2: {  	_ =	swait.ge [sflag:s16], $0x280  }
0xd3: {  	[sflag:s16] =	ssyncset.done $0x0  }
0xd4: {  	s28 =	simm.s32 @!p0 $0xEE00;
	s0 =	simm.s32 @!p0 $0x0;
	[sflag:s16] =	ssyncadd.s32 $0xFFFFFD80  }
0xd5: {  	[hbm4b:s10+s0] =	stream.linear.scatter @!p0 [tilespmem:s28], [sflag:$0x1], $0x280, $0x38;
	[tilespmem:$0x11B00] =	vst v63  }
0xd6: {  	s0 =	simm.s32 @!p0 $0x1  }
0xd7: {  	_ =	swait.ge @!p0 [sflag:s0], $0x280  }
0xd8: {  	[sflag:s0] =	ssyncset.done @!p0 $0x0  }
0xd9: {  	[sflag:s0] =	ssyncadd.s32 @!p0 $0xFFFFFD80  }
0xda: {  	[bflag:$0x0] =	sbarrier.arrive $0xFFFF  }
0xdb: {  	[tilespmem:s24], [sflag:$0x1] =	stream.linear.gather [spmem:s1], $0x2800, $0x38;
	[tilespmem:$0x11B00] =	vst v63  }
0xdc: {  	_ =	swait.ge [sflag:s16], $0x2800  }
0xdd: {  	[sflag:s16] =	ssyncset.done $0x0  }
0xde: {  	[sflag:s16] =	ssyncadd.s32 $0xFFFFD800  }
0xdf: {  	[tilespmem:s17], [sflag:$0x1] =	stream.linear.gather [hbm4b:s4+s3], $0x2800, $0x38;
	[tilespmem:$0x11B00] =	vst v63  }
0xe0: {  	_ =	swait.ge [sflag:s16], $0x2800  }
0xe1: {  	[sflag:s16] =	ssyncset.done $0x0  }
0xe2: {  	[sflag:s16] =	ssyncadd.s32 $0xFFFFD800  }
0xe3: {  	[tilespmem:s25], [sflag:$0x1] =	stream.linear.gather [hbm4b:s11+s3], $0x2710, $0x38;
	[tilespmem:$0x11B00] =	vst v63  }
0xe4: {  	_ =	swait.ge [sflag:s16], $0x2710  }
0xe5: {  	s29 =	simm.s32 $0x4EC0;
	s30 =	smov.u32 s15;
	[sflag:s16] =	ssyncset.done $0x0  }
0xe6: {  	s31 =	smov.u32 s14;
	s28 =	simm.s32 $0xFFFFFFF8;
	[sflag:s16] =	ssyncadd.s32 $0xFFFFD8F0  }
.LBB2_6:
0xe7: {  	v1 =	vld [tilespmem:s31+$0x0];
	_ =	sdelay $0x4  }
0xe8: {  	v2 =	vld [tilespmem:s29+$0xFFFFFFC0];
	_ =	sdelay $0x2  }
0xe9: {  	v1 =	vld.idx.msk [tilespmem:v1+s24+$0x0], $0xffff;
	_ =	sdelay $0x4  }
0xea: {  	[tilespmem:v2+s17+$0x0] =	vst.idx.add.f32.msk $0xffff, v1  }
0xeb: {  	v1 =	vld [tilespmem:s30+$0xFFFFFFD0];
	_ =	sdelay $0x4  }
0xec: {  	v2 =	vld [tilespmem:s29+$0xFFFFFFD0];
	_ =	sdelay $0x2  }
0xed: {  	v1 =	vld.idx.msk [tilespmem:v1+s24+$0x0], $0xffff;
	_ =	sdelay $0x4  }
0xee: {  	[tilespmem:v2+s17+$0x0] =	vst.idx.add.f32.msk $0xffff, v1  }
0xef: {  	v1 =	vld [tilespmem:s30+$0xFFFFFFE0];
	_ =	sdelay $0x4  }
0xf0: {  	v2 =	vld [tilespmem:s29+$0xFFFFFFE0];
	_ =	sdelay $0x2  }
0xf1: {  	v1 =	vld.idx.msk [tilespmem:v1+s24+$0x0], $0xffff;
	_ =	sdelay $0x4  }
0xf2: {  	[tilespmem:v2+s17+$0x0] =	vst.idx.add.f32.msk $0xffff, v1  }
0xf3: {  	v1 =	vld [tilespmem:s30+$0xFFFFFFF0];
	_ =	sdelay $0x4  }
0xf4: {  	v2 =	vld [tilespmem:s29+$0xFFFFFFF0];
	_ =	sdelay $0x2  }
0xf5: {  	v1 =	vld.idx.msk [tilespmem:v1+s24+$0x0], $0xffff;
	_ =	sdelay $0x4  }
0xf6: {  	[tilespmem:v2+s17+$0x0] =	vst.idx.add.f32.msk $0xffff, v1  }
0xf7: {  	v1 =	vld [tilespmem:s30+$0x0];
	_ =	sdelay $0x4  }
0xf8: {  	v2 =	vld [tilespmem:s29+$0x0];
	_ =	sdelay $0x2  }
0xf9: {  	v1 =	vld.idx.msk [tilespmem:v1+s24+$0x0], $0xffff;
	_ =	sdelay $0x4  }
0xfa: {  	[tilespmem:v2+s17+$0x0] =	vst.idx.add.f32.msk $0xffff, v1  }
0xfb: {  	v1 =	vld [tilespmem:s30+$0x10];
	_ =	sdelay $0x4  }
0xfc: {  	v2 =	vld [tilespmem:s29+$0x10];
	_ =	sdelay $0x2  }
0xfd: {  	v1 =	vld.idx.msk [tilespmem:v1+s24+$0x0], $0xffff;
	_ =	sdelay $0x4  }
0xfe: {  	[tilespmem:v2+s17+$0x0] =	vst.idx.add.f32.msk $0xffff, v1  }
0xff: {  	v1 =	vld [tilespmem:s30+$0x20];
	_ =	sdelay $0x4  }
0x100: {  	v2 =	vld [tilespmem:s29+$0x20];
	_ =	sdelay $0x2  }
0x101: {  	v1 =	vld.idx.msk [tilespmem:v1+s24+$0x0], $0xffff;
	_ =	sdelay $0x4  }
0x102: {  	[tilespmem:v2+s17+$0x0] =	vst.idx.add.f32.msk $0xffff, v1  }
0x103: {  	v1 =	vld [tilespmem:s30+$0x30];
	_ =	sdelay $0x4  }
0x104: {  	v2 =	vld [tilespmem:s29+$0x30];
	_ =	sdelay $0x1  }
0x105: {  	s28 =	sadd.s32 $0x8, s28  }
0x106: {  	p1 =	slt.u32 s28, $0x268;
	v1 =	vld.idx.msk [tilespmem:v1+s24+$0x0], $0xffff  }
.Ltmp2:
0x107: {  	_ = 	snop;
	(pc) =	sbr.rel @p1 .LBB2_6-.Ltmp2, $2  }
0x108: {  	_ =	sdelay $0x2  }
0x109: {  	s31 =	sadd.s32 $0x80, s31;
	s29 =	sadd.s32 $0x80, s29;
	s30 =	sadd.s32 $0x80, s30;
	[tilespmem:v2+s17+$0x0] =	vst.idx.add.f32.msk $0xffff, v1  }
0x10a: {  	v1 =	vld [tilespmem:s5+$0x2700];
	_ =	sdelay $0x4  }
0x10b: {  	v2 =	vld [tilespmem:$0x7580];
	_ =	sdelay $0x2  }
0x10c: {  	v1 =	vld.idx.msk [tilespmem:v1+s24+$0x0], $0xffff;
	_ =	sdelay $0x4  }
0x10d: {  	[tilespmem:v2+s17+$0x0] =	vst.idx.add.f32.msk $0xffff, v1  }
0x10e: {  	[spmem:s7] =	stream.strided.scatter [tilespmem:s17], [sflag:$0x1], $0x2800, s19, s18, $0x38;
	[tilespmem:$0x11B00] =	vst v63  }
0x10f: {  	_ =	swait.ge [sflag:s16], $0x2800  }
0x110: {  	[sflag:s16] =	ssyncset.done $0x0  }
0x111: {  	[sflag:s16] =	ssyncadd.s32 $0xFFFFD800  }
0x112: {  	[bflag:$0x0] =	sbarrier.arrive $0xFFFF  }
0x113: {  	[tilespmem:s22], [sflag:$0x1] =	stream.strided.gather [spmem:s8], $0x2800, s21, s20, $0x38;
	[tilespmem:$0x11B00] =	vst v63  }
0x114: {  	s0 =	simm.s32 $0x0;
	_ =	swait.ge [sflag:s16], $0x2800  }
0x115: {  	s28 =	sand.u32 $0x70, s0;
	s0 =	sand.u32 $0x1C00, s0;
	[sflag:s16] =	ssyncset.done $0x0  }
0x116: {  	s0 =	sor.u32 s28, s0;
	[sflag:s16] =	ssyncadd.s32 $0xFFFFD800  }
0x117: {  	v1 =	vld [tilespmem:s0+$0xC600];
	_ =	sdelay $0x1  }
0x118: {  	v2 =	vld [tilespmem:s0+$0xC680];
	_ =	sdelay $0x1  }
0x119: {  	v3 =	vld [tilespmem:s0+$0xC700]  }
0x11a: {  	v1 =	vadd.f32 $0.0e+00, v1  }
0x11b: {  	v4 =	vld [tilespmem:s0+$0xC780]  }
0x11c: {  	v1 =	vadd.f32 v2, v1  }
0x11d: {  	v2 =	vld [tilespmem:s0+$0xC800]  }
0x11e: {  	v1 =	vadd.f32 v3, v1  }
0x11f: {  	v3 =	vld [tilespmem:s0+$0xC880]  }
0x120: {  	v1 =	vadd.f32 v4, v1  }
0x121: {  	v60 =	vld [tilespmem:s0+$0xC900]  }
0x122: {  	v1 =	vadd.f32 v2, v1  }
0x123: {  	v2 =	vld [tilespmem:s0+$0xC980]  }
0x124: {  	v1 =	vadd.f32 v3, v1  }
0x125: {  	v3 =	vld [tilespmem:s0+$0xDA00]  }
0x126: {  	v1 =	vadd.f32 v60, v1  }
0x127: {  	v61 =	vld [tilespmem:s0+$0xDA80]  }
0x128: {  	v1 =	vadd.f32 v2, v1  }
0x129: {  	v2 =	vld [tilespmem:s0+$0xDB00]  }
0x12a: {  	v1 =	vadd.f32 v3, v1  }
0x12b: {  	v3 =	vld [tilespmem:s0+$0xDB80]  }
0x12c: {  	v1 =	vadd.f32 v61, v1  }
0x12d: {  	v62 =	vld [tilespmem:s0+$0xDC00]  }
0x12e: {  	v1 =	vadd.f32 v2, v1  }
0x12f: {  	v2 =	vld [tilespmem:s0+$0xDC80]  }
0x130: {  	v1 =	vadd.f32 v3, v1  }
0x131: {  	v3 =	vld [tilespmem:s0+$0xDD00]  }
0x132: {  	v1 =	vadd.f32 v62, v1  }
0x133: {  	v63 =	vld [tilespmem:s0+$0xDD80]  }
0x134: {  	v1 =	vadd.f32 v2, v1;
	_ =	sdelay $0x1  }
0x135: {  	v1 =	vadd.f32 v3, v1;
	_ =	sdelay $0x1  }
0x136: {  	s29 =	simm.s32 $0x80;
	s30 =	simm.s32 $0x20;
	s0 =	simm.s32 $0x10;
	v1 =	vadd.f32 v63, v1  }
0x137: {  	s28 =	simm.s32 $0xEE00;
	s31 =	sand.u32 $0x70, s0;
	s0 =	sand.u32 $0x1C00, s29  }
.LBB2_8:
0x138: {  	p1 =	sne.s32 s30, $0x270;
	s0 =	sor.u32 s31, s0;
	[tilespmem:s28+$0x0] =	vst v1  }
0x139: {  	v1 =	vld [tilespmem:s0+$0xC600];
	_ =	sdelay $0x1  }
0x13a: {  	v2 =	vld [tilespmem:s0+$0xC680];
	_ =	sdelay $0x1  }
0x13b: {  	v3 =	vld [tilespmem:s0+$0xC700]  }
0x13c: {  	v1 =	vadd.f32 $0.0e+00, v1  }
0x13d: {  	v4 =	vld [tilespmem:s0+$0xC780]  }
0x13e: {  	v1 =	vadd.f32 v2, v1  }
0x13f: {  	v2 =	vld [tilespmem:s0+$0xC800]  }
0x140: {  	v1 =	vadd.f32 v3, v1  }
0x141: {  	v3 =	vld [tilespmem:s0+$0xC880]  }
0x142: {  	v1 =	vadd.f32 v4, v1  }
0x143: {  	v4 =	vld [tilespmem:s0+$0xC900]  }
0x144: {  	v1 =	vadd.f32 v2, v1  }
0x145: {  	v2 =	vld [tilespmem:s0+$0xC980]  }
0x146: {  	v1 =	vadd.f32 v3, v1  }
0x147: {  	v3 =	vld [tilespmem:s0+$0xDA00]  }
0x148: {  	v1 =	vadd.f32 v4, v1  }
0x149: {  	v4 =	vld [tilespmem:s0+$0xDA80]  }
0x14a: {  	v1 =	vadd.f32 v2, v1  }
0x14b: {  	v2 =	vld [tilespmem:s0+$0xDB00]  }
0x14c: {  	v1 =	vadd.f32 v3, v1  }
0x14d: {  	v3 =	vld [tilespmem:s0+$0xDB80]  }
0x14e: {  	v1 =	vadd.f32 v4, v1  }
0x14f: {  	v4 =	vld [tilespmem:s0+$0xDC00]  }
0x150: {  	v1 =	vadd.f32 v2, v1  }
0x151: {  	v2 =	vld [tilespmem:s0+$0xDC80]  }
0x152: {  	v1 =	vadd.f32 v3, v1  }
0x153: {  	v3 =	vld [tilespmem:s0+$0xDD00]  }
0x154: {  	v1 =	vadd.f32 v4, v1  }
0x155: {  	v4 =	vld [tilespmem:s0+$0xDD80]  }
0x156: {  	v1 =	vadd.f32 v2, v1  }
.Ltmp3:
0x157: {  	(pc) =	sbr.rel @p1 .LBB2_8-.Ltmp3, $3  }
0x158: {  	v1 =	vadd.f32 v3, v1;
	_ =	sdelay $0x1  }
0x159: {  	s29 =	sadd.s32 $0x80, s29;
	s28 =	sadd.s32 $0x10, s28;
	v1 =	vadd.f32 v4, v1  }
0x15a: {  	s31 =	sand.u32 $0x70, s30;
	s30 =	sadd.s32 $0x10, s30;
	s0 =	sand.u32 $0x1C00, s29  }
0x15b: {  	s0 =	sor.u32 s31, s0;
	[tilespmem:s28+$0x0] =	vst v1  }
0x15c: {  	v1 =	vld [tilespmem:s0+$0xC600];
	_ =	sdelay $0x1  }
0x15d: {  	v2 =	vld [tilespmem:s0+$0xC680];
	_ =	sdelay $0x1  }
0x15e: {  	v3 =	vld [tilespmem:s0+$0xC700]  }
0x15f: {  	v1 =	vadd.f32 $0.0e+00, v1  }
0x160: {  	v4 =	vld [tilespmem:s0+$0xC780]  }
0x161: {  	v1 =	vadd.f32 v2, v1  }
0x162: {  	v2 =	vld [tilespmem:s0+$0xC800]  }
0x163: {  	v1 =	vadd.f32 v3, v1  }
0x164: {  	v3 =	vld [tilespmem:s0+$0xC880]  }
0x165: {  	v1 =	vadd.f32 v4, v1  }
0x166: {  	v60 =	vld [tilespmem:s0+$0xC900]  }
0x167: {  	v1 =	vadd.f32 v2, v1  }
0x168: {  	v2 =	vld [tilespmem:s0+$0xC980]  }
0x169: {  	v1 =	vadd.f32 v3, v1  }
0x16a: {  	v3 =	vld [tilespmem:s0+$0xDA00]  }
0x16b: {  	v1 =	vadd.f32 v60, v1  }
0x16c: {  	v61 =	vld [tilespmem:s0+$0xDA80]  }
0x16d: {  	v1 =	vadd.f32 v2, v1  }
0x16e: {  	v2 =	vld [tilespmem:s0+$0xDB00]  }
0x16f: {  	v1 =	vadd.f32 v3, v1  }
0x170: {  	v3 =	vld [tilespmem:s0+$0xDB80]  }
0x171: {  	v1 =	vadd.f32 v61, v1  }
0x172: {  	v62 =	vld [tilespmem:s0+$0xDC00]  }
0x173: {  	v1 =	vadd.f32 v2, v1  }
0x174: {  	v2 =	vld [tilespmem:s0+$0xDC80]  }
0x175: {  	v1 =	vadd.f32 v3, v1  }
0x176: {  	v3 =	vld [tilespmem:s0+$0xDD00]  }
0x177: {  	v1 =	vadd.f32 v62, v1  }
0x178: {  	v63 =	vld [tilespmem:s0+$0xDD80]  }
0x179: {  	v1 =	vadd.f32 v2, v1;
	_ =	sdelay $0x1  }
0x17a: {  	v1 =	vadd.f32 v3, v1;
	_ =	sdelay $0x1  }
0x17b: {  	s26 =	sadd.s32 $0x1, s26;
	v1 =	vadd.f32 v63, v1  }
0x17c: {  	s31 =	sadd.s32 $0x10, s28;
	p1 =	sne.s32 s26, s12  }
.Ltmp4:
0x17d: {  	[tilespmem:s31+$0x0] =	vst v1;
	(pc) =	sbr.rel @p1 .LBB2_1-.Ltmp4, $4  }
0x17e: {  	[hbm4b:s13+s3] =	stream.linear.scatter [tilespmem:s23], [sflag:$0x1], $0x280, $0x38;
	[tilespmem:$0x11B00] =	vst v63  }
0x17f: {  	_ =	swait.ge [sflag:s16], $0x280  }
0x180: {  	[sflag:s16] =	ssyncset.done $0x0  }
0x181: {  	[sflag:s16] =	ssyncadd.s32 $0xFFFFFD80  }
0x182: {  	_ =	sfence.sel $0x180000  }
0x183: {  	[bflag:$0x0] =	sbarrier.arrive $0xFFFF  }
0x184: {  	_ =	strace $0x90000047  }
0x185: {  	[bflag:$0x2] =	sbarrier.arrive $0xFFFF  }
0x186: {  	p0 =	sne.s32 s2, $0x0;
	s0 =	rddreg [dreg:$0x3]  }
0x187: {  	s0 =	sadd.s32 @!p0 $0x100000, s0  }
0x188: {  	[sflag:s0] =	ssyncadd.tile.s32 @!p0 $0x1;
	_ =	shalt  }
.Lfunc_end2:
_tile_overlayer_lowered:
.L_overlay_start_2:
0x189: {  	(tag) =	ssettag $0x2  }
0x18a: {  	s0 =	rddreg [dreg:$0x0];
	s2 =	stileid.u32  }
0x18b: {  	s1 =	rddreg [dreg:$0x1];
	p0 =	sne.s32 s2, $0x0  }
0x18c: {  	s3 =	rddreg [dreg:$0x2];
	[bflag:$0x3] =	sbarrier.arrive $0xFFFF;
	s2 =	simm.s32 @!p0 $0x1C01  }
0x18d: {  	[timem:s3], [sflag:s2] =	dma.local @!p0 [hbm:s0], s1  }
0x18e: {  	s0 =	simm.s32 @!p0 $0x1  }
0x18f: {  	_ =	swait.ge @!p0 [sflag:s0], s1  }
0x190: {  	s1 =	ssub.s32 @!p0 $0x0, s1;
	[sflag:s0] =	ssyncset.done @!p0 $0x0  }
0x191: {  	[sflag:s0] =	ssyncadd.s32 @!p0 s1  }
0x192: {  	[bflag:$0x3] =	sbarrier.arrive $0xFFFF  }
0x193: {  	_ =	shalt  }

</sc_bundles>
